<compile_context>
chip_gen: v7x
topology: tpu7x:2x2x1
jax: 0.10.2.dev20260603
libtpu: 0.0.44.dev20260713+nightly
codegen_flags: <defaults>
</compile_context>

<pallas_src>
import jax
import jax.numpy as jnp
from jax import lax
from jax.experimental import pallas as pl
from jax.experimental.pallas import tpu as pltpu
from jax.experimental.pallas import tpu_sc as plsc

CODEBOOK_SIZE = 1024
CODEBOOK_DIM = 64
COMMITMENT_COST = 0.25

TILE_N = 512

NUM_WORKERS = 32
NBANK = 2
NGROUP = 3


def _argmin_kernel(x_ref, c_ref, c2_ref, idx_ref, lsum_ref, acc_ref):
    i = pl.program_id(0)
    nsteps = pl.num_programs(0)

    x = x_ref[...]
    c = c_ref[...]
    c2 = c2_ref[...]

    x2 = jnp.sum(x * x, axis=1, keepdims=True)
    xc2 = jax.lax.dot_general(
        -2.0 * x, c, (((1,), (1,)), ((), ())),
        preferred_element_type=jnp.float32)
    d = (x2 + c2[None, :]) + xc2

    dmin = jnp.min(d, axis=1, keepdims=True)
    iota = jax.lax.broadcasted_iota(jnp.int32, d.shape, 1)
    idx = jnp.min(jnp.where(d == dmin, iota, CODEBOOK_SIZE), axis=1)
    idx_ref[...] = idx.astype(jnp.int32)

    part = jnp.sum(dmin)

    @pl.when(i == 0)
    def _():
        acc_ref[0, 0] = part

    @pl.when(i != 0)
    def _():
        acc_ref[0, 0] = acc_ref[0, 0] + part

    @pl.when(i == nsteps - 1)
    def _():
        lsum_ref[0, 0] = acc_ref[0, 0]


def _tc_argmin(flat, codebook, c2, n):
    grid = n // TILE_N
    return pl.pallas_call(
        _argmin_kernel,
        grid=(grid,),
        in_specs=[
            pl.BlockSpec((TILE_N, CODEBOOK_DIM), lambda i: (i, 0)),
            pl.BlockSpec((CODEBOOK_SIZE, CODEBOOK_DIM), lambda i: (0, 0)),
            pl.BlockSpec((CODEBOOK_SIZE,), lambda i: (0,)),
        ],
        out_specs=[
            pl.BlockSpec((TILE_N,), lambda i: (i,)),
            pl.BlockSpec(memory_space=pltpu.SMEM),
        ],
        out_shape=[
            jax.ShapeDtypeStruct((n,), jnp.int32),
            jax.ShapeDtypeStruct((1, 1), jnp.float32),
        ],
        scratch_shapes=[pltpu.SMEM((1, 1), jnp.float32)],
    )(flat, codebook, c2)


def _make_sc_gather(n_rows):
    rows_per_w = n_rows // NUM_WORKERS
    chunk = 128
    while rows_per_w % chunk:
        chunk -= 8
    n_chunks = rows_per_w // chunk
    mesh = plsc.VectorSubcoreMesh(core_axis_name="c", subcore_axis_name="s")

    def sc_gather(codebook, idx_flat):
        @pl.kernel(
            mesh=mesh,
            out_type=jax.ShapeDtypeStruct((n_rows, CODEBOOK_DIM), jnp.float32),
            scratch_types=[
                pltpu.VMEM((rows_per_w,), jnp.int32),
                pltpu.VMEM((NBANK, NGROUP, chunk, CODEBOOK_DIM), jnp.float32),
                pltpu.SemaphoreType.DMA((NBANK,)),
                pltpu.SemaphoreType.DMA((NBANK,)),
            ],
            compiler_params=pltpu.CompilerParams(use_tc_tiling_on_sc=False),
        )
        def body(cb_hbm, idx_hbm, out_hbm, idx_v, rows_v, gsem, wsem):
            wid = lax.axis_index("s") * 2 + lax.axis_index("c")
            base = wid * rows_per_w
            pltpu.sync_copy(idx_hbm.at[pl.ds(base, rows_per_w)], idx_v)

            def fire(j):
                bank = (j // NGROUP) % NBANK
                slot = j % NGROUP
                return pltpu.async_copy(
                    cb_hbm.at[idx_v.at[pl.ds(j * chunk, chunk)]],
                    rows_v.at[bank, slot],
                    gsem.at[bank])

            def write(j):
                bank = (j // NGROUP) % NBANK
                slot = j % NGROUP
                return pltpu.async_copy(
                    rows_v.at[bank, slot],
                    out_hbm.at[pl.ds(base + j * chunk, chunk)],
                    wsem.at[bank])

            n_groups = n_chunks // NGROUP
            gathers, writes = {}, {}
            for g in range(n_groups):
                for j in range(g * NGROUP, (g + 1) * NGROUP):
                    if g >= NBANK:
                        writes[j - NBANK * NGROUP].wait()
                    gathers[j] = fire(j)
                for j in range(g * NGROUP, (g + 1) * NGROUP):
                    gathers[j].wait()
                    writes[j] = write(j)
            for g in range(max(n_groups - NBANK, 0), n_groups):
                for j in range(g * NGROUP, (g + 1) * NGROUP):
                    writes[j].wait()

        return body(codebook, idx_flat)

    return sc_gather


def kernel(inputs, codebook):
    batch, time_steps, dim = inputs.shape
    n = batch * time_steps
    flat = inputs.reshape(n, dim)

    c2 = jnp.sum(codebook ** 2, axis=1)
    idx, lsum = _tc_argmin(flat, codebook, c2, n)
    q_lin = _make_sc_gather(n)(codebook, idx)
    quantized = q_lin.reshape(batch, time_steps, dim)

    loss = lsum[0, 0] * (COMMITMENT_COST / (n * dim))
    indices = idx.reshape(batch, time_steps)
    return quantized, indices, loss

# --- scband reference (transcript-rebuilt; emitter-appended) ---
"""Pipeline reference for scband-vector-quantizer-38671885533486 (READ-ONLY COPY).

The authoritative reference and input builder live on the scoring server;
editing this copy changes nothing except your own understanding.
"""

import jax, jax.numpy as jnp
import numpy as np

CODEBOOK_SIZE = 1024
CODEBOOK_DIM = 64
COMMITMENT_COST = 0.25


def setup_inputs(seed: int = 0) -> dict:
    key = jax.random.key(seed)
    k1, k2 = jax.random.split(key)
    inputs = jax.random.normal(k1, (64, 576, CODEBOOK_DIM), dtype=jnp.float32)
    codebook = jax.random.uniform(
        k2, (CODEBOOK_SIZE, CODEBOOK_DIM),
        minval=-1.0 / CODEBOOK_SIZE, maxval=1.0 / CODEBOOK_SIZE,
        dtype=jnp.float32)
    return {"inputs": inputs, "codebook": codebook}


def reference(inputs, codebook):
    batch_size, time_steps, dim = inputs.shape
    flat_input = inputs.reshape(-1, dim)
    distances = (
        jnp.sum(flat_input ** 2, axis=1, keepdims=True)
        + jnp.sum(codebook ** 2, axis=1)
        - 2.0 * flat_input @ codebook.T
    )
    indices = jnp.argmin(distances, axis=1)
    indices_reshaped = indices.reshape(batch_size, time_steps)
    quantized = jnp.take(codebook, indices, axis=0).reshape(batch_size, time_steps, dim)
    # straight-through estimator (eval-mode forward; no EMA update)
    quantized_st = inputs + jax.lax.stop_gradient(quantized - inputs)
    commitment_loss = jnp.mean((jax.lax.stop_gradient(quantized_st) - inputs) ** 2) * COMMITMENT_COST
    return quantized_st, indices_reshaped, commitment_loss

if __name__ == "__main__":
    import jax
    _d = setup_inputs()
    print(jax.jit(kernel)(*tuple(_d.values())))

</pallas_src>

<mosaic_0001>
#map = affine_map<(d0, d1) -> (0, 0)>
#map1 = affine_map<(d0, d1) -> (0)>
module attributes {stable_mosaic.version = 14 : i64} {
  func.func @body(%arg0: i32, %arg1: i32, %arg2: memref<1024x64xf32, #tpu.memory_space<hbm>>, %arg3: memref<36864xi32, #tpu.memory_space<hbm>>, %arg4: memref<36864x64xf32, #tpu.memory_space<hbm>>, %arg5: memref<1152xi32, #tpu.memory_space<vmem>>, %arg6: memref<2x3x128x64xf32, #tpu.memory_space<vmem>>, %arg7: memref<2x!tpu.dma_semaphore, #tpu.memory_space<semaphore_mem>>, %arg8: memref<2x!tpu.dma_semaphore, #tpu.memory_space<semaphore_mem>>) attributes {dimension_semantics = [#tpu.dimension_semantics<core_parallel>, #tpu.dimension_semantics<subcore_parallel>], iteration_bounds = array<i64: 2, 16>, scalar_prefetch = 0 : i64, scratch_operands = 4 : i64, tpu.core_type = #tpu.core_type<sc_vector_subcore>, window_params = [{transform_indices = #map}, {transform_indices = #map1}, {transform_indices = #map}]} {
    %mul3A = arith.constant 2 : i32
    %mul3A_0 = arith.muli %arg1, %mul3A : i32
    %add3A = arith.addi %mul3A_0, %arg0 : i32
    %mul3A_1 = arith.constant 1152 : i32
    %mul3A_2 = arith.muli %add3A, %mul3A_1 : i32
    "tpu.region"() ({
      %run_scoped3A = tpu.sem_alloc : memref<!tpu.dma_semaphore, #tpu.memory_space<semaphore_mem>>
      %dma_start3A_577 = tpu.memref_slice %arg3[%mul3A_2] : memref<36864xi32, #tpu.memory_space<hbm>> -> memref<1152xi32, #tpu.memory_space<hbm>>
      %dma_start3A_578 = tpu.memref_slice %arg3[%mul3A_2] : memref<36864xi32, #tpu.memory_space<hbm>> -> memref<1152xi32, #tpu.memory_space<hbm>>
      tpu.enqueue_dma source(%dma_start3A_578 : memref<1152xi32, #tpu.memory_space<hbm>>) target(%arg5 : memref<1152xi32, #tpu.memory_space<vmem>>) target_semaphore(%run_scoped3A : memref<!tpu.dma_semaphore, #tpu.memory_space<semaphore_mem>>)
      %dma_wait3A_579 = tpu.memref_slice %arg3[%mul3A_2] : memref<36864xi32, #tpu.memory_space<hbm>> -> memref<1152xi32, #tpu.memory_space<hbm>>
      %dma_wait3A_580 = tpu.memref_slice %arg3[%mul3A_2] : memref<36864xi32, #tpu.memory_space<hbm>> -> memref<1152xi32, #tpu.memory_space<hbm>>
      tpu.wait_dma2 semaphore(%run_scoped3A : memref<!tpu.dma_semaphore, #tpu.memory_space<semaphore_mem>>) src(%dma_wait3A_580 : memref<1152xi32, #tpu.memory_space<hbm>>) dst(%arg5 : memref<1152xi32, #tpu.memory_space<vmem>>)
      tpu.yield
    }) : () -> ()
    %dma_start3A = arith.constant 0 : i32
    %dma_start3A_3 = arith.constant 0 : i32
    %dma_start3A_4 = arith.constant 0 : i32
    %dma_start3A_5 = arith.constant 0 : i32
    %dma_start3A_6 = arith.constant 0 : i32
    %dma_start3A_7 = tpu.memref_slice %arg6[%dma_start3A, %dma_start3A_3, %dma_start3A_5, %dma_start3A_6] : memref<2x3x128x64xf32, #tpu.memory_space<vmem>> -> memref<1x1x128x64xf32, #tpu.memory_space<vmem>>
    %dma_start3A_8 = tpu.memref_squeeze %dma_start3A_7 : memref<1x1x128x64xf32, #tpu.memory_space<vmem>> -> memref<128x64xf32, #tpu.memory_space<vmem>>
    %dma_start3A_9 = arith.constant 0 : i32
    %dma_start3A_10 = tpu.memref_slice %arg5[%dma_start3A_9] : memref<1152xi32, #tpu.memory_space<vmem>> -> memref<128xi32, #tpu.memory_space<vmem>>
    %dma_start3A_11 = arith.constant 0 : i32
    %dma_start3A_12 = arith.constant 0 : i32
    %dma_start3A_13 = tpu.memref_slice %arg2[%dma_start3A_11, %dma_start3A_12] : memref<1024x64xf32, #tpu.memory_space<hbm>> -> memref<1024x64xf32, #tpu.memory_space<hbm>>
    %dma_start3A_14 = tpu.memref_slice %arg7[%dma_start3A_4] : memref<2x!tpu.dma_semaphore, #tpu.memory_space<semaphore_mem>> -> memref<1x!tpu.dma_semaphore, #tpu.memory_space<semaphore_mem>>
    %dma_start3A_15 = tpu.memref_squeeze %dma_start3A_14 : memref<1x!tpu.dma_semaphore, #tpu.memory_space<semaphore_mem>> -> memref<!tpu.dma_semaphore, #tpu.memory_space<semaphore_mem>>
    tpu.enqueue_indirect_dma source(%dma_start3A_13 : memref<1024x64xf32, #tpu.memory_space<hbm>>) target(%dma_start3A_8 : memref<128x64xf32, #tpu.memory_space<vmem>>) offsets(%dma_start3A_10 : memref<128xi32, #tpu.memory_space<vmem>>) semaphore(%dma_start3A_15 : memref<!tpu.dma_semaphore, #tpu.memory_space<semaphore_mem>>)
    %dma_start3A_16 = arith.constant 0 : i32
    %dma_start3A_17 = arith.constant 1 : i32
    %dma_start3A_18 = arith.constant 0 : i32
    %dma_start3A_19 = arith.constant 0 : i32
    %dma_start3A_20 = arith.constant 0 : i32
    %dma_start3A_21 = tpu.memref_slice %arg6[%dma_start3A_16, %dma_start3A_17, %dma_start3A_19, %dma_start3A_20] : memref<2x3x128x64xf32, #tpu.memory_space<vmem>> -> memref<1x1x128x64xf32, #tpu.memory_space<vmem>>
    %dma_start3A_22 = tpu.memref_squeeze %dma_start3A_21 : memref<1x1x128x64xf32, #tpu.memory_space<vmem>> -> memref<128x64xf32, #tpu.memory_space<vmem>>
    %dma_start3A_23 = arith.constant 128 : i32
    %dma_start3A_24 = tpu.memref_slice %arg5[%dma_start3A_23] : memref<1152xi32, #tpu.memory_space<vmem>> -> memref<128xi32, #tpu.memory_space<vmem>>
    %dma_start3A_25 = arith.constant 0 : i32
    %dma_start3A_26 = arith.constant 0 : i32
    %dma_start3A_27 = tpu.memref_slice %arg2[%dma_start3A_25, %dma_start3A_26] : memref<1024x64xf32, #tpu.memory_space<hbm>> -> memref<1024x64xf32, #tpu.memory_space<hbm>>
    %dma_start3A_28 = tpu.memref_slice %arg7[%dma_start3A_18] : memref<2x!tpu.dma_semaphore, #tpu.memory_space<semaphore_mem>> -> memref<1x!tpu.dma_semaphore, #tpu.memory_space<semaphore_mem>>
    %dma_start3A_29 = tpu.memref_squeeze %dma_start3A_28 : memref<1x!tpu.dma_semaphore, #tpu.memory_space<semaphore_mem>> -> memref<!tpu.dma_semaphore, #tpu.memory_space<semaphore_mem>>
    tpu.enqueue_indirect_dma source(%dma_start3A_27 : memref<1024x64xf32, #tpu.memory_space<hbm>>) target(%dma_start3A_22 : memref<128x64xf32, #tpu.memory_space<vmem>>) offsets(%dma_start3A_24 : memref<128xi32, #tpu.memory_space<vmem>>) semaphore(%dma_start3A_29 : memref<!tpu.dma_semaphore, #tpu.memory_space<semaphore_mem>>)
    %dma_start3A_30 = arith.constant 0 : i32
    %dma_start3A_31 = arith.constant 2 : i32
    %dma_start3A_32 = arith.constant 0 : i32
    %dma_start3A_33 = arith.constant 0 : i32
    %dma_start3A_34 = arith.constant 0 : i32
    %dma_start3A_35 = tpu.memref_slice %arg6[%dma_start3A_30, %dma_start3A_31, %dma_start3A_33, %dma_start3A_34] : memref<2x3x128x64xf32, #tpu.memory_space<vmem>> -> memref<1x1x128x64xf32, #tpu.memory_space<vmem>>
    %dma_start3A_36 = tpu.memref_squeeze %dma_start3A_35 : memref<1x1x128x64xf32, #tpu.memory_space<vmem>> -> memref<128x64xf32, #tpu.memory_space<vmem>>
    %dma_start3A_37 = arith.constant 256 : i32
    %dma_start3A_38 = tpu.memref_slice %arg5[%dma_start3A_37] : memref<1152xi32, #tpu.memory_space<vmem>> -> memref<128xi32, #tpu.memory_space<vmem>>
    %dma_start3A_39 = arith.constant 0 : i32
    %dma_start3A_40 = arith.constant 0 : i32
    %dma_start3A_41 = tpu.memref_slice %arg2[%dma_start3A_39, %dma_start3A_40] : memref<1024x64xf32, #tpu.memory_space<hbm>> -> memref<1024x64xf32, #tpu.memory_space<hbm>>
    %dma_start3A_42 = tpu.memref_slice %arg7[%dma_start3A_32] : memref<2x!tpu.dma_semaphore, #tpu.memory_space<semaphore_mem>> -> memref<1x!tpu.dma_semaphore, #tpu.memory_space<semaphore_mem>>
    %dma_start3A_43 = tpu.memref_squeeze %dma_start3A_42 : memref<1x!tpu.dma_semaphore, #tpu.memory_space<semaphore_mem>> -> memref<!tpu.dma_semaphore, #tpu.memory_space<semaphore_mem>>
    tpu.enqueue_indirect_dma source(%dma_start3A_41 : memref<1024x64xf32, #tpu.memory_space<hbm>>) target(%dma_start3A_36 : memref<128x64xf32, #tpu.memory_space<vmem>>) offsets(%dma_start3A_38 : memref<128xi32, #tpu.memory_space<vmem>>) semaphore(%dma_start3A_43 : memref<!tpu.dma_semaphore, #tpu.memory_space<semaphore_mem>>)
    %dma_wait3A = arith.constant 0 : i32
    %dma_wait3A_44 = arith.constant 0 : i32
    %dma_wait3A_45 = arith.constant 0 : i32
    %dma_wait3A_46 = arith.constant 0 : i32
    %dma_wait3A_47 = arith.constant 0 : i32
    %dma_wait3A_48 = tpu.memref_slice %arg6[%dma_wait3A, %dma_wait3A_44, %dma_wait3A_46, %dma_wait3A_47] : memref<2x3x128x64xf32, #tpu.memory_space<vmem>> -> memref<1x1x128x64xf32, #tpu.memory_space<vmem>>
    %dma_wait3A_49 = tpu.memref_squeeze %dma_wait3A_48 : memref<1x1x128x64xf32, #tpu.memory_space<vmem>> -> memref<128x64xf32, #tpu.memory_space<vmem>>
    %dma_wait3A_50 = arith.constant 0 : i32
    %dma_wait3A_51 = tpu.memref_slice %arg5[%dma_wait3A_50] : memref<1152xi32, #tpu.memory_space<vmem>> -> memref<128xi32, #tpu.memory_space<vmem>>
    %dma_wait3A_52 = arith.constant 0 : i32
    %dma_wait3A_53 = arith.constant 0 : i32
    %dma_wait3A_54 = tpu.memref_slice %arg2[%dma_wait3A_52, %dma_wait3A_53] : memref<1024x64xf32, #tpu.memory_space<hbm>> -> memref<1024x64xf32, #tpu.memory_space<hbm>>
    %dma_wait3A_55 = tpu.memref_slice %arg7[%dma_wait3A_45] : memref<2x!tpu.dma_semaphore, #tpu.memory_space<semaphore_mem>> -> memref<1x!tpu.dma_semaphore, #tpu.memory_space<semaphore_mem>>
    %dma_wait3A_56 = tpu.memref_squeeze %dma_wait3A_55 : memref<1x!tpu.dma_semaphore, #tpu.memory_space<semaphore_mem>> -> memref<!tpu.dma_semaphore, #tpu.memory_space<semaphore_mem>>
    tpu.wait_indirect_dma semaphore(%dma_wait3A_56 : memref<!tpu.dma_semaphore, #tpu.memory_space<semaphore_mem>>) src(%dma_wait3A_54 : memref<1024x64xf32, #tpu.memory_space<hbm>>) dst(%dma_wait3A_49 : memref<128x64xf32, #tpu.memory_space<vmem>>)
    %add3A_57 = arith.constant 0 : i32
    %add3A_58 = arith.addi %mul3A_2, %add3A_57 : i32
    %dma_start3A_59 = arith.constant 0 : i32
    %dma_start3A_60 = arith.constant 0 : i32
    %dma_start3A_61 = arith.constant 0 : i32
    %dma_start3A_62 = arith.constant 0 : i32
    %dma_start3A_63 = arith.constant 0 : i32
    %dma_start3A_64 = tpu.memref_slice %arg6[%dma_start3A_59, %dma_start3A_60, %dma_start3A_62, %dma_start3A_63] : memref<2x3x128x64xf32, #tpu.memory_space<vmem>> -> memref<1x1x128x64xf32, #tpu.memory_space<vmem>>
    %dma_start3A_65 = tpu.memref_squeeze %dma_start3A_64 : memref<1x1x128x64xf32, #tpu.memory_space<vmem>> -> memref<128x64xf32, #tpu.memory_space<vmem>>
    %dma_start3A_66 = arith.constant 0 : i32
    %dma_start3A_67 = tpu.memref_slice %arg4[%add3A_58, %dma_start3A_66] : memref<36864x64xf32, #tpu.memory_space<hbm>> -> memref<128x64xf32, #tpu.memory_space<hbm>>
    %dma_start3A_68 = tpu.memref_slice %arg8[%dma_start3A_61] : memref<2x!tpu.dma_semaphore, #tpu.memory_space<semaphore_mem>> -> memref<1x!tpu.dma_semaphore, #tpu.memory_space<semaphore_mem>>
    %dma_start3A_69 = tpu.memref_squeeze %dma_start3A_68 : memref<1x!tpu.dma_semaphore, #tpu.memory_space<semaphore_mem>> -> memref<!tpu.dma_semaphore, #tpu.memory_space<semaphore_mem>>
    %dma_start3A_70 = arith.constant 0 : i32
    %dma_start3A_71 = tpu.memref_slice %arg4[%add3A_58, %dma_start3A_70] : memref<36864x64xf32, #tpu.memory_space<hbm>> -> memref<128x64xf32, #tpu.memory_space<hbm>>
    %dma_start3A_72 = arith.constant 0 : i32
    %dma_start3A_73 = arith.constant 0 : i32
    %dma_start3A_74 = tpu.memref_slice %arg6[%dma_start3A_59, %dma_start3A_60, %dma_start3A_72, %dma_start3A_73] : memref<2x3x128x64xf32, #tpu.memory_space<vmem>> -> memref<1x1x128x64xf32, #tpu.memory_space<vmem>>
    %dma_start3A_75 = tpu.memref_squeeze %dma_start3A_74 : memref<1x1x128x64xf32, #tpu.memory_space<vmem>> -> memref<128x64xf32, #tpu.memory_space<vmem>>
    tpu.enqueue_dma source(%dma_start3A_75 : memref<128x64xf32, #tpu.memory_space<vmem>>) target(%dma_start3A_71 : memref<128x64xf32, #tpu.memory_space<hbm>>) target_semaphore(%dma_start3A_69 : memref<!tpu.dma_semaphore, #tpu.memory_space<semaphore_mem>>)
    %dma_wait3A_76 = arith.constant 0 : i32
    %dma_wait3A_77 = arith.constant 1 : i32
    %dma_wait3A_78 = arith.constant 0 : i32
    %dma_wait3A_79 = arith.constant 0 : i32
    %dma_wait3A_80 = arith.constant 0 : i32
    %dma_wait3A_81 = tpu.memref_slice %arg6[%dma_wait3A_76, %dma_wait3A_77, %dma_wait3A_79, %dma_wait3A_80] : memref<2x3x128x64xf32, #tpu.memory_space<vmem>> -> memref<1x1x128x64xf32, #tpu.memory_space<vmem>>
    %dma_wait3A_82 = tpu.memref_squeeze %dma_wait3A_81 : memref<1x1x128x64xf32, #tpu.memory_space<vmem>> -> memref<128x64xf32, #tpu.memory_space<vmem>>
    %dma_wait3A_83 = arith.constant 128 : i32
    %dma_wait3A_84 = tpu.memref_slice %arg5[%dma_wait3A_83] : memref<1152xi32, #tpu.memory_space<vmem>> -> memref<128xi32, #tpu.memory_space<vmem>>
    %dma_wait3A_85 = arith.constant 0 : i32
    %dma_wait3A_86 = arith.constant 0 : i32
    %dma_wait3A_87 = tpu.memref_slice %arg2[%dma_wait3A_85, %dma_wait3A_86] : memref<1024x64xf32, #tpu.memory_space<hbm>> -> memref<1024x64xf32, #tpu.memory_space<hbm>>
    %dma_wait3A_88 = tpu.memref_slice %arg7[%dma_wait3A_78] : memref<2x!tpu.dma_semaphore, #tpu.memory_space<semaphore_mem>> -> memref<1x!tpu.dma_semaphore, #tpu.memory_space<semaphore_mem>>
    %dma_wait3A_89 = tpu.memref_squeeze %dma_wait3A_88 : memref<1x!tpu.dma_semaphore, #tpu.memory_space<semaphore_mem>> -> memref<!tpu.dma_semaphore, #tpu.memory_space<semaphore_mem>>
    tpu.wait_indirect_dma semaphore(%dma_wait3A_89 : memref<!tpu.dma_semaphore, #tpu.memory_space<semaphore_mem>>) src(%dma_wait3A_87 : memref<1024x64xf32, #tpu.memory_space<hbm>>) dst(%dma_wait3A_82 : memref<128x64xf32, #tpu.memory_space<vmem>>)
    %add3A_90 = arith.constant 128 : i32
    %add3A_91 = arith.addi %mul3A_2, %add3A_90 : i32
    %dma_start3A_92 = arith.constant 0 : i32
    %dma_start3A_93 = arith.constant 1 : i32
    %dma_start3A_94 = arith.constant 0 : i32
    %dma_start3A_95 = arith.constant 0 : i32
    %dma_start3A_96 = arith.constant 0 : i32
    %dma_start3A_97 = tpu.memref_slice %arg6[%dma_start3A_92, %dma_start3A_93, %dma_start3A_95, %dma_start3A_96] : memref<2x3x128x64xf32, #tpu.memory_space<vmem>> -> memref<1x1x128x64xf32, #tpu.memory_space<vmem>>
    %dma_start3A_98 = tpu.memref_squeeze %dma_start3A_97 : memref<1x1x128x64xf32, #tpu.memory_space<vmem>> -> memref<128x64xf32, #tpu.memory_space<vmem>>
    %dma_start3A_99 = arith.constant 0 : i32
    %dma_start3A_100 = tpu.memref_slice %arg4[%add3A_91, %dma_start3A_99] : memref<36864x64xf32, #tpu.memory_space<hbm>> -> memref<128x64xf32, #tpu.memory_space<hbm>>
    %dma_start3A_101 = tpu.memref_slice %arg8[%dma_start3A_94] : memref<2x!tpu.dma_semaphore, #tpu.memory_space<semaphore_mem>> -> memref<1x!tpu.dma_semaphore, #tpu.memory_space<semaphore_mem>>
    %dma_start3A_102 = tpu.memref_squeeze %dma_start3A_101 : memref<1x!tpu.dma_semaphore, #tpu.memory_space<semaphore_mem>> -> memref<!tpu.dma_semaphore, #tpu.memory_space<semaphore_mem>>
    %dma_start3A_103 = arith.constant 0 : i32
    %dma_start3A_104 = tpu.memref_slice %arg4[%add3A_91, %dma_start3A_103] : memref<36864x64xf32, #tpu.memory_space<hbm>> -> memref<128x64xf32, #tpu.memory_space<hbm>>
    %dma_start3A_105 = arith.constant 0 : i32
    %dma_start3A_106 = arith.constant 0 : i32
    %dma_start3A_107 = tpu.memref_slice %arg6[%dma_start3A_92, %dma_start3A_93, %dma_start3A_105, %dma_start3A_106] : memref<2x3x128x64xf32, #tpu.memory_space<vmem>> -> memref<1x1x128x64xf32, #tpu.memory_space<vmem>>
    %dma_start3A_108 = tpu.memref_squeeze %dma_start3A_107 : memref<1x1x128x64xf32, #tpu.memory_space<vmem>> -> memref<128x64xf32, #tpu.memory_space<vmem>>
    tpu.enqueue_dma source(%dma_start3A_108 : memref<128x64xf32, #tpu.memory_space<vmem>>) target(%dma_start3A_104 : memref<128x64xf32, #tpu.memory_space<hbm>>) target_semaphore(%dma_start3A_102 : memref<!tpu.dma_semaphore, #tpu.memory_space<semaphore_mem>>)
    %dma_wait3A_109 = arith.constant 0 : i32
    %dma_wait3A_110 = arith.constant 2 : i32
    %dma_wait3A_111 = arith.constant 0 : i32
    %dma_wait3A_112 = arith.constant 0 : i32
    %dma_wait3A_113 = arith.constant 0 : i32
    %dma_wait3A_114 = tpu.memref_slice %arg6[%dma_wait3A_109, %dma_wait3A_110, %dma_wait3A_112, %dma_wait3A_113] : memref<2x3x128x64xf32, #tpu.memory_space<vmem>> -> memref<1x1x128x64xf32, #tpu.memory_space<vmem>>
    %dma_wait3A_115 = tpu.memref_squeeze %dma_wait3A_114 : memref<1x1x128x64xf32, #tpu.memory_space<vmem>> -> memref<128x64xf32, #tpu.memory_space<vmem>>
    %dma_wait3A_116 = arith.constant 256 : i32
    %dma_wait3A_117 = tpu.memref_slice %arg5[%dma_wait3A_116] : memref<1152xi32, #tpu.memory_space<vmem>> -> memref<128xi32, #tpu.memory_space<vmem>>
    %dma_wait3A_118 = arith.constant 0 : i32
    %dma_wait3A_119 = arith.constant 0 : i32
    %dma_wait3A_120 = tpu.memref_slice %arg2[%dma_wait3A_118, %dma_wait3A_119] : memref<1024x64xf32, #tpu.memory_space<hbm>> -> memref<1024x64xf32, #tpu.memory_space<hbm>>
    %dma_wait3A_121 = tpu.memref_slice %arg7[%dma_wait3A_111] : memref<2x!tpu.dma_semaphore, #tpu.memory_space<semaphore_mem>> -> memref<1x!tpu.dma_semaphore, #tpu.memory_space<semaphore_mem>>
    %dma_wait3A_122 = tpu.memref_squeeze %dma_wait3A_121 : memref<1x!tpu.dma_semaphore, #tpu.memory_space<semaphore_mem>> -> memref<!tpu.dma_semaphore, #tpu.memory_space<semaphore_mem>>
    tpu.wait_indirect_dma semaphore(%dma_wait3A_122 : memref<!tpu.dma_semaphore, #tpu.memory_space<semaphore_mem>>) src(%dma_wait3A_120 : memref<1024x64xf32, #tpu.memory_space<hbm>>) dst(%dma_wait3A_115 : memref<128x64xf32, #tpu.memory_space<vmem>>)
    %add3A_123 = arith.constant 256 : i32
    %add3A_124 = arith.addi %mul3A_2, %add3A_123 : i32
    %dma_start3A_125 = arith.constant 0 : i32
    %dma_start3A_126 = arith.constant 2 : i32
    %dma_start3A_127 = arith.constant 0 : i32
    %dma_start3A_128 = arith.constant 0 : i32
    %dma_start3A_129 = arith.constant 0 : i32
    %dma_start3A_130 = tpu.memref_slice %arg6[%dma_start3A_125, %dma_start3A_126, %dma_start3A_128, %dma_start3A_129] : memref<2x3x128x64xf32, #tpu.memory_space<vmem>> -> memref<1x1x128x64xf32, #tpu.memory_space<vmem>>
    %dma_start3A_131 = tpu.memref_squeeze %dma_start3A_130 : memref<1x1x128x64xf32, #tpu.memory_space<vmem>> -> memref<128x64xf32, #tpu.memory_space<vmem>>
    %dma_start3A_132 = arith.constant 0 : i32
    %dma_start3A_133 = tpu.memref_slice %arg4[%add3A_124, %dma_start3A_132] : memref<36864x64xf32, #tpu.memory_space<hbm>> -> memref<128x64xf32, #tpu.memory_space<hbm>>
    %dma_start3A_134 = tpu.memref_slice %arg8[%dma_start3A_127] : memref<2x!tpu.dma_semaphore, #tpu.memory_space<semaphore_mem>> -> memref<1x!tpu.dma_semaphore, #tpu.memory_space<semaphore_mem>>
    %dma_start3A_135 = tpu.memref_squeeze %dma_start3A_134 : memref<1x!tpu.dma_semaphore, #tpu.memory_space<semaphore_mem>> -> memref<!tpu.dma_semaphore, #tpu.memory_space<semaphore_mem>>
    %dma_start3A_136 = arith.constant 0 : i32
    %dma_start3A_137 = tpu.memref_slice %arg4[%add3A_124, %dma_start3A_136] : memref<36864x64xf32, #tpu.memory_space<hbm>> -> memref<128x64xf32, #tpu.memory_space<hbm>>
    %dma_start3A_138 = arith.constant 0 : i32
    %dma_start3A_139 = arith.constant 0 : i32
    %dma_start3A_140 = tpu.memref_slice %arg6[%dma_start3A_125, %dma_start3A_126, %dma_start3A_138, %dma_start3A_139] : memref<2x3x128x64xf32, #tpu.memory_space<vmem>> -> memref<1x1x128x64xf32, #tpu.memory_space<vmem>>
    %dma_start3A_141 = tpu.memref_squeeze %dma_start3A_140 : memref<1x1x128x64xf32, #tpu.memory_space<vmem>> -> memref<128x64xf32, #tpu.memory_space<vmem>>
    tpu.enqueue_dma source(%dma_start3A_141 : memref<128x64xf32, #tpu.memory_space<vmem>>) target(%dma_start3A_137 : memref<128x64xf32, #tpu.memory_space<hbm>>) target_semaphore(%dma_start3A_135 : memref<!tpu.dma_semaphore, #tpu.memory_space<semaphore_mem>>)
    %dma_start3A_142 = arith.constant 1 : i32
    %dma_start3A_143 = arith.constant 0 : i32
    %dma_start3A_144 = arith.constant 1 : i32
    %dma_start3A_145 = arith.constant 0 : i32
    %dma_start3A_146 = arith.constant 0 : i32
    %dma_start3A_147 = tpu.memref_slice %arg6[%dma_start3A_142, %dma_start3A_143, %dma_start3A_145, %dma_start3A_146] : memref<2x3x128x64xf32, #tpu.memory_space<vmem>> -> memref<1x1x128x64xf32, #tpu.memory_space<vmem>>
    %dma_start3A_148 = tpu.memref_squeeze %dma_start3A_147 : memref<1x1x128x64xf32, #tpu.memory_space<vmem>> -> memref<128x64xf32, #tpu.memory_space<vmem>>
    %dma_start3A_149 = arith.constant 384 : i32
    %dma_start3A_150 = tpu.memref_slice %arg5[%dma_start3A_149] : memref<1152xi32, #tpu.memory_space<vmem>> -> memref<128xi32, #tpu.memory_space<vmem>>
    %dma_start3A_151 = arith.constant 0 : i32
    %dma_start3A_152 = arith.constant 0 : i32
    %dma_start3A_153 = tpu.memref_slice %arg2[%dma_start3A_151, %dma_start3A_152] : memref<1024x64xf32, #tpu.memory_space<hbm>> -> memref<1024x64xf32, #tpu.memory_space<hbm>>
    %dma_start3A_154 = tpu.memref_slice %arg7[%dma_start3A_144] : memref<2x!tpu.dma_semaphore, #tpu.memory_space<semaphore_mem>> -> memref<1x!tpu.dma_semaphore, #tpu.memory_space<semaphore_mem>>
    %dma_start3A_155 = tpu.memref_squeeze %dma_start3A_154 : memref<1x!tpu.dma_semaphore, #tpu.memory_space<semaphore_mem>> -> memref<!tpu.dma_semaphore, #tpu.memory_space<semaphore_mem>>
    tpu.enqueue_indirect_dma source(%dma_start3A_153 : memref<1024x64xf32, #tpu.memory_space<hbm>>) target(%dma_start3A_148 : memref<128x64xf32, #tpu.memory_space<vmem>>) offsets(%dma_start3A_150 : memref<128xi32, #tpu.memory_space<vmem>>) semaphore(%dma_start3A_155 : memref<!tpu.dma_semaphore, #tpu.memory_space<semaphore_mem>>)
    %dma_start3A_156 = arith.constant 1 : i32
    %dma_start3A_157 = arith.constant 1 : i32
    %dma_start3A_158 = arith.constant 1 : i32
    %dma_start3A_159 = arith.constant 0 : i32
    %dma_start3A_160 = arith.constant 0 : i32
    %dma_start3A_161 = tpu.memref_slice %arg6[%dma_start3A_156, %dma_start3A_157, %dma_start3A_159, %dma_start3A_160] : memref<2x3x128x64xf32, #tpu.memory_space<vmem>> -> memref<1x1x128x64xf32, #tpu.memory_space<vmem>>
    %dma_start3A_162 = tpu.memref_squeeze %dma_start3A_161 : memref<1x1x128x64xf32, #tpu.memory_space<vmem>> -> memref<128x64xf32, #tpu.memory_space<vmem>>
    %dma_start3A_163 = arith.constant 512 : i32
    %dma_start3A_164 = tpu.memref_slice %arg5[%dma_start3A_163] : memref<1152xi32, #tpu.memory_space<vmem>> -> memref<128xi32, #tpu.memory_space<vmem>>
    %dma_start3A_165 = arith.constant 0 : i32
    %dma_start3A_166 = arith.constant 0 : i32
    %dma_start3A_167 = tpu.memref_slice %arg2[%dma_start3A_165, %dma_start3A_166] : memref<1024x64xf32, #tpu.memory_space<hbm>> -> memref<1024x64xf32, #tpu.memory_space<hbm>>
    %dma_start3A_168 = tpu.memref_slice %arg7[%dma_start3A_158] : memref<2x!tpu.dma_semaphore, #tpu.memory_space<semaphore_mem>> -> memref<1x!tpu.dma_semaphore, #tpu.memory_space<semaphore_mem>>
    %dma_start3A_169 = tpu.memref_squeeze %dma_start3A_168 : memref<1x!tpu.dma_semaphore, #tpu.memory_space<semaphore_mem>> -> memref<!tpu.dma_semaphore, #tpu.memory_space<semaphore_mem>>
    tpu.enqueue_indirect_dma source(%dma_start3A_167 : memref<1024x64xf32, #tpu.memory_space<hbm>>) target(%dma_start3A_162 : memref<128x64xf32, #tpu.memory_space<vmem>>) offsets(%dma_start3A_164 : memref<128xi32, #tpu.memory_space<vmem>>) semaphore(%dma_start3A_169 : memref<!tpu.dma_semaphore, #tpu.memory_space<semaphore_mem>>)
    %dma_start3A_170 = arith.constant 1 : i32
    %dma_start3A_171 = arith.constant 2 : i32
    %dma_start3A_172 = arith.constant 1 : i32
    %dma_start3A_173 = arith.constant 0 : i32
    %dma_start3A_174 = arith.constant 0 : i32
    %dma_start3A_175 = tpu.memref_slice %arg6[%dma_start3A_170, %dma_start3A_171, %dma_start3A_173, %dma_start3A_174] : memref<2x3x128x64xf32, #tpu.memory_space<vmem>> -> memref<1x1x128x64xf32, #tpu.memory_space<vmem>>
    %dma_start3A_176 = tpu.memref_squeeze %dma_start3A_175 : memref<1x1x128x64xf32, #tpu.memory_space<vmem>> -> memref<128x64xf32, #tpu.memory_space<vmem>>
    %dma_start3A_177 = arith.constant 640 : i32
    %dma_start3A_178 = tpu.memref_slice %arg5[%dma_start3A_177] : memref<1152xi32, #tpu.memory_space<vmem>> -> memref<128xi32, #tpu.memory_space<vmem>>
    %dma_start3A_179 = arith.constant 0 : i32
    %dma_start3A_180 = arith.constant 0 : i32
    %dma_start3A_181 = tpu.memref_slice %arg2[%dma_start3A_179, %dma_start3A_180] : memref<1024x64xf32, #tpu.memory_space<hbm>> -> memref<1024x64xf32, #tpu.memory_space<hbm>>
    %dma_start3A_182 = tpu.memref_slice %arg7[%dma_start3A_172] : memref<2x!tpu.dma_semaphore, #tpu.memory_space<semaphore_mem>> -> memref<1x!tpu.dma_semaphore, #tpu.memory_space<semaphore_mem>>
    %dma_start3A_183 = tpu.memref_squeeze %dma_start3A_182 : memref<1x!tpu.dma_semaphore, #tpu.memory_space<semaphore_mem>> -> memref<!tpu.dma_semaphore, #tpu.memory_space<semaphore_mem>>
    tpu.enqueue_indirect_dma source(%dma_start3A_181 : memref<1024x64xf32, #tpu.memory_space<hbm>>) target(%dma_start3A_176 : memref<128x64xf32, #tpu.memory_space<vmem>>) offsets(%dma_start3A_178 : memref<128xi32, #tpu.memory_space<vmem>>) semaphore(%dma_start3A_183 : memref<!tpu.dma_semaphore, #tpu.memory_space<semaphore_mem>>)
    %dma_wait3A_184 = arith.constant 1 : i32
    %dma_wait3A_185 = arith.constant 0 : i32
    %dma_wait3A_186 = arith.constant 1 : i32
    %dma_wait3A_187 = arith.constant 0 : i32
    %dma_wait3A_188 = arith.constant 0 : i32
    %dma_wait3A_189 = tpu.memref_slice %arg6[%dma_wait3A_184, %dma_wait3A_185, %dma_wait3A_187, %dma_wait3A_188] : memref<2x3x128x64xf32, #tpu.memory_space<vmem>> -> memref<1x1x128x64xf32, #tpu.memory_space<vmem>>
    %dma_wait3A_190 = tpu.memref_squeeze %dma_wait3A_189 : memref<1x1x128x64xf32, #tpu.memory_space<vmem>> -> memref<128x64xf32, #tpu.memory_space<vmem>>
    %dma_wait3A_191 = arith.constant 384 : i32
    %dma_wait3A_192 = tpu.memref_slice %arg5[%dma_wait3A_191] : memref<1152xi32, #tpu.memory_space<vmem>> -> memref<128xi32, #tpu.memory_space<vmem>>
    %dma_wait3A_193 = arith.constant 0 : i32
    %dma_wait3A_194 = arith.constant 0 : i32
    %dma_wait3A_195 = tpu.memref_slice %arg2[%dma_wait3A_193, %dma_wait3A_194] : memref<1024x64xf32, #tpu.memory_space<hbm>> -> memref<1024x64xf32, #tpu.memory_space<hbm>>
    %dma_wait3A_196 = tpu.memref_slice %arg7[%dma_wait3A_186] : memref<2x!tpu.dma_semaphore, #tpu.memory_space<semaphore_mem>> -> memref<1x!tpu.dma_semaphore, #tpu.memory_space<semaphore_mem>>
    %dma_wait3A_197 = tpu.memref_squeeze %dma_wait3A_196 : memref<1x!tpu.dma_semaphore, #tpu.memory_space<semaphore_mem>> -> memref<!tpu.dma_semaphore, #tpu.memory_space<semaphore_mem>>
    tpu.wait_indirect_dma semaphore(%dma_wait3A_197 : memref<!tpu.dma_semaphore, #tpu.memory_space<semaphore_mem>>) src(%dma_wait3A_195 : memref<1024x64xf32, #tpu.memory_space<hbm>>) dst(%dma_wait3A_190 : memref<128x64xf32, #tpu.memory_space<vmem>>)
    %add3A_198 = arith.constant 384 : i32
    %add3A_199 = arith.addi %mul3A_2, %add3A_198 : i32
    %dma_start3A_200 = arith.constant 1 : i32
    %dma_start3A_201 = arith.constant 0 : i32
    %dma_start3A_202 = arith.constant 1 : i32
    %dma_start3A_203 = arith.constant 0 : i32
    %dma_start3A_204 = arith.constant 0 : i32
    %dma_start3A_205 = tpu.memref_slice %arg6[%dma_start3A_200, %dma_start3A_201, %dma_start3A_203, %dma_start3A_204] : memref<2x3x128x64xf32, #tpu.memory_space<vmem>> -> memref<1x1x128x64xf32, #tpu.memory_space<vmem>>
    %dma_start3A_206 = tpu.memref_squeeze %dma_start3A_205 : memref<1x1x128x64xf32, #tpu.memory_space<vmem>> -> memref<128x64xf32, #tpu.memory_space<vmem>>
    %dma_start3A_207 = arith.constant 0 : i32
    %dma_start3A_208 = tpu.memref_slice %arg4[%add3A_199, %dma_start3A_207] : memref<36864x64xf32, #tpu.memory_space<hbm>> -> memref<128x64xf32, #tpu.memory_space<hbm>>
    %dma_start3A_209 = tpu.memref_slice %arg8[%dma_start3A_202] : memref<2x!tpu.dma_semaphore, #tpu.memory_space<semaphore_mem>> -> memref<1x!tpu.dma_semaphore, #tpu.memory_space<semaphore_mem>>
    %dma_start3A_210 = tpu.memref_squeeze %dma_start3A_209 : memref<1x!tpu.dma_semaphore, #tpu.memory_space<semaphore_mem>> -> memref<!tpu.dma_semaphore, #tpu.memory_space<semaphore_mem>>
    %dma_start3A_211 = arith.constant 0 : i32
    %dma_start3A_212 = tpu.memref_slice %arg4[%add3A_199, %dma_start3A_211] : memref<36864x64xf32, #tpu.memory_space<hbm>> -> memref<128x64xf32, #tpu.memory_space<hbm>>
    %dma_start3A_213 = arith.constant 0 : i32
    %dma_start3A_214 = arith.constant 0 : i32
    %dma_start3A_215 = tpu.memref_slice %arg6[%dma_start3A_200, %dma_start3A_201, %dma_start3A_213, %dma_start3A_214] : memref<2x3x128x64xf32, #tpu.memory_space<vmem>> -> memref<1x1x128x64xf32, #tpu.memory_space<vmem>>
    %dma_start3A_216 = tpu.memref_squeeze %dma_start3A_215 : memref<1x1x128x64xf32, #tpu.memory_space<vmem>> -> memref<128x64xf32, #tpu.memory_space<vmem>>
    tpu.enqueue_dma source(%dma_start3A_216 : memref<128x64xf32, #tpu.memory_space<vmem>>) target(%dma_start3A_212 : memref<128x64xf32, #tpu.memory_space<hbm>>) target_semaphore(%dma_start3A_210 : memref<!tpu.dma_semaphore, #tpu.memory_space<semaphore_mem>>)
    %dma_wait3A_217 = arith.constant 1 : i32
    %dma_wait3A_218 = arith.constant 1 : i32
    %dma_wait3A_219 = arith.constant 1 : i32
    %dma_wait3A_220 = arith.constant 0 : i32
    %dma_wait3A_221 = arith.constant 0 : i32
    %dma_wait3A_222 = tpu.memref_slice %arg6[%dma_wait3A_217, %dma_wait3A_218, %dma_wait3A_220, %dma_wait3A_221] : memref<2x3x128x64xf32, #tpu.memory_space<vmem>> -> memref<1x1x128x64xf32, #tpu.memory_space<vmem>>
    %dma_wait3A_223 = tpu.memref_squeeze %dma_wait3A_222 : memref<1x1x128x64xf32, #tpu.memory_space<vmem>> -> memref<128x64xf32, #tpu.memory_space<vmem>>
    %dma_wait3A_224 = arith.constant 512 : i32
    %dma_wait3A_225 = tpu.memref_slice %arg5[%dma_wait3A_224] : memref<1152xi32, #tpu.memory_space<vmem>> -> memref<128xi32, #tpu.memory_space<vmem>>
    %dma_wait3A_226 = arith.constant 0 : i32
    %dma_wait3A_227 = arith.constant 0 : i32
    %dma_wait3A_228 = tpu.memref_slice %arg2[%dma_wait3A_226, %dma_wait3A_227] : memref<1024x64xf32, #tpu.memory_space<hbm>> -> memref<1024x64xf32, #tpu.memory_space<hbm>>
    %dma_wait3A_229 = tpu.memref_slice %arg7[%dma_wait3A_219] : memref<2x!tpu.dma_semaphore, #tpu.memory_space<semaphore_mem>> -> memref<1x!tpu.dma_semaphore, #tpu.memory_space<semaphore_mem>>
    %dma_wait3A_230 = tpu.memref_squeeze %dma_wait3A_229 : memref<1x!tpu.dma_semaphore, #tpu.memory_space<semaphore_mem>> -> memref<!tpu.dma_semaphore, #tpu.memory_space<semaphore_mem>>
    tpu.wait_indirect_dma semaphore(%dma_wait3A_230 : memref<!tpu.dma_semaphore, #tpu.memory_space<semaphore_mem>>) src(%dma_wait3A_228 : memref<1024x64xf32, #tpu.memory_space<hbm>>) dst(%dma_wait3A_223 : memref<128x64xf32, #tpu.memory_space<vmem>>)
    %add3A_231 = arith.constant 512 : i32
    %add3A_232 = arith.addi %mul3A_2, %add3A_231 : i32
    %dma_start3A_233 = arith.constant 1 : i32
    %dma_start3A_234 = arith.constant 1 : i32
    %dma_start3A_235 = arith.constant 1 : i32
    %dma_start3A_236 = arith.constant 0 : i32
    %dma_start3A_237 = arith.constant 0 : i32
    %dma_start3A_238 = tpu.memref_slice %arg6[%dma_start3A_233, %dma_start3A_234, %dma_start3A_236, %dma_start3A_237] : memref<2x3x128x64xf32, #tpu.memory_space<vmem>> -> memref<1x1x128x64xf32, #tpu.memory_space<vmem>>
    %dma_start3A_239 = tpu.memref_squeeze %dma_start3A_238 : memref<1x1x128x64xf32, #tpu.memory_space<vmem>> -> memref<128x64xf32, #tpu.memory_space<vmem>>
    %dma_start3A_240 = arith.constant 0 : i32
    %dma_start3A_241 = tpu.memref_slice %arg4[%add3A_232, %dma_start3A_240] : memref<36864x64xf32, #tpu.memory_space<hbm>> -> memref<128x64xf32, #tpu.memory_space<hbm>>
    %dma_start3A_242 = tpu.memref_slice %arg8[%dma_start3A_235] : memref<2x!tpu.dma_semaphore, #tpu.memory_space<semaphore_mem>> -> memref<1x!tpu.dma_semaphore, #tpu.memory_space<semaphore_mem>>
    %dma_start3A_243 = tpu.memref_squeeze %dma_start3A_242 : memref<1x!tpu.dma_semaphore, #tpu.memory_space<semaphore_mem>> -> memref<!tpu.dma_semaphore, #tpu.memory_space<semaphore_mem>>
    %dma_start3A_244 = arith.constant 0 : i32
    %dma_start3A_245 = tpu.memref_slice %arg4[%add3A_232, %dma_start3A_244] : memref<36864x64xf32, #tpu.memory_space<hbm>> -> memref<128x64xf32, #tpu.memory_space<hbm>>
    %dma_start3A_246 = arith.constant 0 : i32
    %dma_start3A_247 = arith.constant 0 : i32
    %dma_start3A_248 = tpu.memref_slice %arg6[%dma_start3A_233, %dma_start3A_234, %dma_start3A_246, %dma_start3A_247] : memref<2x3x128x64xf32, #tpu.memory_space<vmem>> -> memref<1x1x128x64xf32, #tpu.memory_space<vmem>>
    %dma_start3A_249 = tpu.memref_squeeze %dma_start3A_248 : memref<1x1x128x64xf32, #tpu.memory_space<vmem>> -> memref<128x64xf32, #tpu.memory_space<vmem>>
    tpu.enqueue_dma source(%dma_start3A_249 : memref<128x64xf32, #tpu.memory_space<vmem>>) target(%dma_start3A_245 : memref<128x64xf32, #tpu.memory_space<hbm>>) target_semaphore(%dma_start3A_243 : memref<!tpu.dma_semaphore, #tpu.memory_space<semaphore_mem>>)
    %dma_wait3A_250 = arith.constant 1 : i32
    %dma_wait3A_251 = arith.constant 2 : i32
    %dma_wait3A_252 = arith.constant 1 : i32
    %dma_wait3A_253 = arith.constant 0 : i32
    %dma_wait3A_254 = arith.constant 0 : i32
    %dma_wait3A_255 = tpu.memref_slice %arg6[%dma_wait3A_250, %dma_wait3A_251, %dma_wait3A_253, %dma_wait3A_254] : memref<2x3x128x64xf32, #tpu.memory_space<vmem>> -> memref<1x1x128x64xf32, #tpu.memory_space<vmem>>
    %dma_wait3A_256 = tpu.memref_squeeze %dma_wait3A_255 : memref<1x1x128x64xf32, #tpu.memory_space<vmem>> -> memref<128x64xf32, #tpu.memory_space<vmem>>
    %dma_wait3A_257 = arith.constant 640 : i32
    %dma_wait3A_258 = tpu.memref_slice %arg5[%dma_wait3A_257] : memref<1152xi32, #tpu.memory_space<vmem>> -> memref<128xi32, #tpu.memory_space<vmem>>
    %dma_wait3A_259 = arith.constant 0 : i32
    %dma_wait3A_260 = arith.constant 0 : i32
    %dma_wait3A_261 = tpu.memref_slice %arg2[%dma_wait3A_259, %dma_wait3A_260] : memref<1024x64xf32, #tpu.memory_space<hbm>> -> memref<1024x64xf32, #tpu.memory_space<hbm>>
    %dma_wait3A_262 = tpu.memref_slice %arg7[%dma_wait3A_252] : memref<2x!tpu.dma_semaphore, #tpu.memory_space<semaphore_mem>> -> memref<1x!tpu.dma_semaphore, #tpu.memory_space<semaphore_mem>>
    %dma_wait3A_263 = tpu.memref_squeeze %dma_wait3A_262 : memref<1x!tpu.dma_semaphore, #tpu.memory_space<semaphore_mem>> -> memref<!tpu.dma_semaphore, #tpu.memory_space<semaphore_mem>>
    tpu.wait_indirect_dma semaphore(%dma_wait3A_263 : memref<!tpu.dma_semaphore, #tpu.memory_space<semaphore_mem>>) src(%dma_wait3A_261 : memref<1024x64xf32, #tpu.memory_space<hbm>>) dst(%dma_wait3A_256 : memref<128x64xf32, #tpu.memory_space<vmem>>)
    %add3A_264 = arith.constant 640 : i32
    %add3A_265 = arith.addi %mul3A_2, %add3A_264 : i32
    %dma_start3A_266 = arith.constant 1 : i32
    %dma_start3A_267 = arith.constant 2 : i32
    %dma_start3A_268 = arith.constant 1 : i32
    %dma_start3A_269 = arith.constant 0 : i32
    %dma_start3A_270 = arith.constant 0 : i32
    %dma_start3A_271 = tpu.memref_slice %arg6[%dma_start3A_266, %dma_start3A_267, %dma_start3A_269, %dma_start3A_270] : memref<2x3x128x64xf32, #tpu.memory_space<vmem>> -> memref<1x1x128x64xf32, #tpu.memory_space<vmem>>
    %dma_start3A_272 = tpu.memref_squeeze %dma_start3A_271 : memref<1x1x128x64xf32, #tpu.memory_space<vmem>> -> memref<128x64xf32, #tpu.memory_space<vmem>>
    %dma_start3A_273 = arith.constant 0 : i32
    %dma_start3A_274 = tpu.memref_slice %arg4[%add3A_265, %dma_start3A_273] : memref<36864x64xf32, #tpu.memory_space<hbm>> -> memref<128x64xf32, #tpu.memory_space<hbm>>
    %dma_start3A_275 = tpu.memref_slice %arg8[%dma_start3A_268] : memref<2x!tpu.dma_semaphore, #tpu.memory_space<semaphore_mem>> -> memref<1x!tpu.dma_semaphore, #tpu.memory_space<semaphore_mem>>
    %dma_start3A_276 = tpu.memref_squeeze %dma_start3A_275 : memref<1x!tpu.dma_semaphore, #tpu.memory_space<semaphore_mem>> -> memref<!tpu.dma_semaphore, #tpu.memory_space<semaphore_mem>>
    %dma_start3A_277 = arith.constant 0 : i32
    %dma_start3A_278 = tpu.memref_slice %arg4[%add3A_265, %dma_start3A_277] : memref<36864x64xf32, #tpu.memory_space<hbm>> -> memref<128x64xf32, #tpu.memory_space<hbm>>
    %dma_start3A_279 = arith.constant 0 : i32
    %dma_start3A_280 = arith.constant 0 : i32
    %dma_start3A_281 = tpu.memref_slice %arg6[%dma_start3A_266, %dma_start3A_267, %dma_start3A_279, %dma_start3A_280] : memref<2x3x128x64xf32, #tpu.memory_space<vmem>> -> memref<1x1x128x64xf32, #tpu.memory_space<vmem>>
    %dma_start3A_282 = tpu.memref_squeeze %dma_start3A_281 : memref<1x1x128x64xf32, #tpu.memory_space<vmem>> -> memref<128x64xf32, #tpu.memory_space<vmem>>
    tpu.enqueue_dma source(%dma_start3A_282 : memref<128x64xf32, #tpu.memory_space<vmem>>) target(%dma_start3A_278 : memref<128x64xf32, #tpu.memory_space<hbm>>) target_semaphore(%dma_start3A_276 : memref<!tpu.dma_semaphore, #tpu.memory_space<semaphore_mem>>)
    %dma_wait3A_283 = arith.constant 0 : i32
    %dma_wait3A_284 = arith.constant 0 : i32
    %dma_wait3A_285 = arith.constant 0 : i32
    %dma_wait3A_286 = arith.constant 0 : i32
    %dma_wait3A_287 = arith.constant 0 : i32
    %dma_wait3A_288 = tpu.memref_slice %arg6[%dma_wait3A_283, %dma_wait3A_284, %dma_wait3A_286, %dma_wait3A_287] : memref<2x3x128x64xf32, #tpu.memory_space<vmem>> -> memref<1x1x128x64xf32, #tpu.memory_space<vmem>>
    %dma_wait3A_289 = tpu.memref_squeeze %dma_wait3A_288 : memref<1x1x128x64xf32, #tpu.memory_space<vmem>> -> memref<128x64xf32, #tpu.memory_space<vmem>>
    %dma_wait3A_290 = arith.constant 0 : i32
    %dma_wait3A_291 = tpu.memref_slice %arg4[%add3A_58, %dma_wait3A_290] : memref<36864x64xf32, #tpu.memory_space<hbm>> -> memref<128x64xf32, #tpu.memory_space<hbm>>
    %dma_wait3A_292 = tpu.memref_slice %arg8[%dma_wait3A_285] : memref<2x!tpu.dma_semaphore, #tpu.memory_space<semaphore_mem>> -> memref<1x!tpu.dma_semaphore, #tpu.memory_space<semaphore_mem>>
    %dma_wait3A_293 = tpu.memref_squeeze %dma_wait3A_292 : memref<1x!tpu.dma_semaphore, #tpu.memory_space<semaphore_mem>> -> memref<!tpu.dma_semaphore, #tpu.memory_space<semaphore_mem>>
    %dma_wait3A_294 = arith.constant 0 : i32
    %dma_wait3A_295 = tpu.memref_slice %arg4[%add3A_58, %dma_wait3A_294] : memref<36864x64xf32, #tpu.memory_space<hbm>> -> memref<128x64xf32, #tpu.memory_space<hbm>>
    %dma_wait3A_296 = arith.constant 0 : i32
    %dma_wait3A_297 = arith.constant 0 : i32
    %dma_wait3A_298 = tpu.memref_slice %arg6[%dma_wait3A_283, %dma_wait3A_284, %dma_wait3A_296, %dma_wait3A_297] : memref<2x3x128x64xf32, #tpu.memory_space<vmem>> -> memref<1x1x128x64xf32, #tpu.memory_space<vmem>>
    %dma_wait3A_299 = tpu.memref_squeeze %dma_wait3A_298 : memref<1x1x128x64xf32, #tpu.memory_space<vmem>> -> memref<128x64xf32, #tpu.memory_space<vmem>>
    tpu.wait_dma2 semaphore(%dma_wait3A_293 : memref<!tpu.dma_semaphore, #tpu.memory_space<semaphore_mem>>) src(%dma_wait3A_299 : memref<128x64xf32, #tpu.memory_space<vmem>>) dst(%dma_wait3A_295 : memref<128x64xf32, #tpu.memory_space<hbm>>)
    %dma_start3A_300 = arith.constant 0 : i32
    %dma_start3A_301 = arith.constant 0 : i32
    %dma_start3A_302 = arith.constant 0 : i32
    %dma_start3A_303 = arith.constant 0 : i32
    %dma_start3A_304 = arith.constant 0 : i32
    %dma_start3A_305 = tpu.memref_slice %arg6[%dma_start3A_300, %dma_start3A_301, %dma_start3A_303, %dma_start3A_304] : memref<2x3x128x64xf32, #tpu.memory_space<vmem>> -> memref<1x1x128x64xf32, #tpu.memory_space<vmem>>
    %dma_start3A_306 = tpu.memref_squeeze %dma_start3A_305 : memref<1x1x128x64xf32, #tpu.memory_space<vmem>> -> memref<128x64xf32, #tpu.memory_space<vmem>>
    %dma_start3A_307 = arith.constant 768 : i32
    %dma_start3A_308 = tpu.memref_slice %arg5[%dma_start3A_307] : memref<1152xi32, #tpu.memory_space<vmem>> -> memref<128xi32, #tpu.memory_space<vmem>>
    %dma_start3A_309 = arith.constant 0 : i32
    %dma_start3A_310 = arith.constant 0 : i32
    %dma_start3A_311 = tpu.memref_slice %arg2[%dma_start3A_309, %dma_start3A_310] : memref<1024x64xf32, #tpu.memory_space<hbm>> -> memref<1024x64xf32, #tpu.memory_space<hbm>>
    %dma_start3A_312 = tpu.memref_slice %arg7[%dma_start3A_302] : memref<2x!tpu.dma_semaphore, #tpu.memory_space<semaphore_mem>> -> memref<1x!tpu.dma_semaphore, #tpu.memory_space<semaphore_mem>>
    %dma_start3A_313 = tpu.memref_squeeze %dma_start3A_312 : memref<1x!tpu.dma_semaphore, #tpu.memory_space<semaphore_mem>> -> memref<!tpu.dma_semaphore, #tpu.memory_space<semaphore_mem>>
    tpu.enqueue_indirect_dma source(%dma_start3A_311 : memref<1024x64xf32, #tpu.memory_space<hbm>>) target(%dma_start3A_306 : memref<128x64xf32, #tpu.memory_space<vmem>>) offsets(%dma_start3A_308 : memref<128xi32, #tpu.memory_space<vmem>>) semaphore(%dma_start3A_313 : memref<!tpu.dma_semaphore, #tpu.memory_space<semaphore_mem>>)
    %dma_wait3A_314 = arith.constant 0 : i32
    %dma_wait3A_315 = arith.constant 1 : i32
    %dma_wait3A_316 = arith.constant 0 : i32
    %dma_wait3A_317 = arith.constant 0 : i32
    %dma_wait3A_318 = arith.constant 0 : i32
    %dma_wait3A_319 = tpu.memref_slice %arg6[%dma_wait3A_314, %dma_wait3A_315, %dma_wait3A_317, %dma_wait3A_318] : memref<2x3x128x64xf32, #tpu.memory_space<vmem>> -> memref<1x1x128x64xf32, #tpu.memory_space<vmem>>
    %dma_wait3A_320 = tpu.memref_squeeze %dma_wait3A_319 : memref<1x1x128x64xf32, #tpu.memory_space<vmem>> -> memref<128x64xf32, #tpu.memory_space<vmem>>
    %dma_wait3A_321 = arith.constant 0 : i32
    %dma_wait3A_322 = tpu.memref_slice %arg4[%add3A_91, %dma_wait3A_321] : memref<36864x64xf32, #tpu.memory_space<hbm>> -> memref<128x64xf32, #tpu.memory_space<hbm>>
    %dma_wait3A_323 = tpu.memref_slice %arg8[%dma_wait3A_316] : memref<2x!tpu.dma_semaphore, #tpu.memory_space<semaphore_mem>> -> memref<1x!tpu.dma_semaphore, #tpu.memory_space<semaphore_mem>>
    %dma_wait3A_324 = tpu.memref_squeeze %dma_wait3A_323 : memref<1x!tpu.dma_semaphore, #tpu.memory_space<semaphore_mem>> -> memref<!tpu.dma_semaphore, #tpu.memory_space<semaphore_mem>>
    %dma_wait3A_325 = arith.constant 0 : i32
    %dma_wait3A_326 = tpu.memref_slice %arg4[%add3A_91, %dma_wait3A_325] : memref<36864x64xf32, #tpu.memory_space<hbm>> -> memref<128x64xf32, #tpu.memory_space<hbm>>
    %dma_wait3A_327 = arith.constant 0 : i32
    %dma_wait3A_328 = arith.constant 0 : i32
    %dma_wait3A_329 = tpu.memref_slice %arg6[%dma_wait3A_314, %dma_wait3A_315, %dma_wait3A_327, %dma_wait3A_328] : memref<2x3x128x64xf32, #tpu.memory_space<vmem>> -> memref<1x1x128x64xf32, #tpu.memory_space<vmem>>
    %dma_wait3A_330 = tpu.memref_squeeze %dma_wait3A_329 : memref<1x1x128x64xf32, #tpu.memory_space<vmem>> -> memref<128x64xf32, #tpu.memory_space<vmem>>
    tpu.wait_dma2 semaphore(%dma_wait3A_324 : memref<!tpu.dma_semaphore, #tpu.memory_space<semaphore_mem>>) src(%dma_wait3A_330 : memref<128x64xf32, #tpu.memory_space<vmem>>) dst(%dma_wait3A_326 : memref<128x64xf32, #tpu.memory_space<hbm>>)
    %dma_start3A_331 = arith.constant 0 : i32
    %dma_start3A_332 = arith.constant 1 : i32
    %dma_start3A_333 = arith.constant 0 : i32
    %dma_start3A_334 = arith.constant 0 : i32
    %dma_start3A_335 = arith.constant 0 : i32
    %dma_start3A_336 = tpu.memref_slice %arg6[%dma_start3A_331, %dma_start3A_332, %dma_start3A_334, %dma_start3A_335] : memref<2x3x128x64xf32, #tpu.memory_space<vmem>> -> memref<1x1x128x64xf32, #tpu.memory_space<vmem>>
    %dma_start3A_337 = tpu.memref_squeeze %dma_start3A_336 : memref<1x1x128x64xf32, #tpu.memory_space<vmem>> -> memref<128x64xf32, #tpu.memory_space<vmem>>
    %dma_start3A_338 = arith.constant 896 : i32
    %dma_start3A_339 = tpu.memref_slice %arg5[%dma_start3A_338] : memref<1152xi32, #tpu.memory_space<vmem>> -> memref<128xi32, #tpu.memory_space<vmem>>
    %dma_start3A_340 = arith.constant 0 : i32
    %dma_start3A_341 = arith.constant 0 : i32
    %dma_start3A_342 = tpu.memref_slice %arg2[%dma_start3A_340, %dma_start3A_341] : memref<1024x64xf32, #tpu.memory_space<hbm>> -> memref<1024x64xf32, #tpu.memory_space<hbm>>
    %dma_start3A_343 = tpu.memref_slice %arg7[%dma_start3A_333] : memref<2x!tpu.dma_semaphore, #tpu.memory_space<semaphore_mem>> -> memref<1x!tpu.dma_semaphore, #tpu.memory_space<semaphore_mem>>
    %dma_start3A_344 = tpu.memref_squeeze %dma_start3A_343 : memref<1x!tpu.dma_semaphore, #tpu.memory_space<semaphore_mem>> -> memref<!tpu.dma_semaphore, #tpu.memory_space<semaphore_mem>>
    tpu.enqueue_indirect_dma source(%dma_start3A_342 : memref<1024x64xf32, #tpu.memory_space<hbm>>) target(%dma_start3A_337 : memref<128x64xf32, #tpu.memory_space<vmem>>) offsets(%dma_start3A_339 : memref<128xi32, #tpu.memory_space<vmem>>) semaphore(%dma_start3A_344 : memref<!tpu.dma_semaphore, #tpu.memory_space<semaphore_mem>>)
    %dma_wait3A_345 = arith.constant 0 : i32
    %dma_wait3A_346 = arith.constant 2 : i32
    %dma_wait3A_347 = arith.constant 0 : i32
    %dma_wait3A_348 = arith.constant 0 : i32
    %dma_wait3A_349 = arith.constant 0 : i32
    %dma_wait3A_350 = tpu.memref_slice %arg6[%dma_wait3A_345, %dma_wait3A_346, %dma_wait3A_348, %dma_wait3A_349] : memref<2x3x128x64xf32, #tpu.memory_space<vmem>> -> memref<1x1x128x64xf32, #tpu.memory_space<vmem>>
    %dma_wait3A_351 = tpu.memref_squeeze %dma_wait3A_350 : memref<1x1x128x64xf32, #tpu.memory_space<vmem>> -> memref<128x64xf32, #tpu.memory_space<vmem>>
    %dma_wait3A_352 = arith.constant 0 : i32
    %dma_wait3A_353 = tpu.memref_slice %arg4[%add3A_124, %dma_wait3A_352] : memref<36864x64xf32, #tpu.memory_space<hbm>> -> memref<128x64xf32, #tpu.memory_space<hbm>>
    %dma_wait3A_354 = tpu.memref_slice %arg8[%dma_wait3A_347] : memref<2x!tpu.dma_semaphore, #tpu.memory_space<semaphore_mem>> -> memref<1x!tpu.dma_semaphore, #tpu.memory_space<semaphore_mem>>
    %dma_wait3A_355 = tpu.memref_squeeze %dma_wait3A_354 : memref<1x!tpu.dma_semaphore, #tpu.memory_space<semaphore_mem>> -> memref<!tpu.dma_semaphore, #tpu.memory_space<semaphore_mem>>
    %dma_wait3A_356 = arith.constant 0 : i32
    %dma_wait3A_357 = tpu.memref_slice %arg4[%add3A_124, %dma_wait3A_356] : memref<36864x64xf32, #tpu.memory_space<hbm>> -> memref<128x64xf32, #tpu.memory_space<hbm>>
    %dma_wait3A_358 = arith.constant 0 : i32
    %dma_wait3A_359 = arith.constant 0 : i32
    %dma_wait3A_360 = tpu.memref_slice %arg6[%dma_wait3A_345, %dma_wait3A_346, %dma_wait3A_358, %dma_wait3A_359] : memref<2x3x128x64xf32, #tpu.memory_space<vmem>> -> memref<1x1x128x64xf32, #tpu.memory_space<vmem>>
    %dma_wait3A_361 = tpu.memref_squeeze %dma_wait3A_360 : memref<1x1x128x64xf32, #tpu.memory_space<vmem>> -> memref<128x64xf32, #tpu.memory_space<vmem>>
    tpu.wait_dma2 semaphore(%dma_wait3A_355 : memref<!tpu.dma_semaphore, #tpu.memory_space<semaphore_mem>>) src(%dma_wait3A_361 : memref<128x64xf32, #tpu.memory_space<vmem>>) dst(%dma_wait3A_357 : memref<128x64xf32, #tpu.memory_space<hbm>>)
    %dma_start3A_362 = arith.constant 0 : i32
    %dma_start3A_363 = arith.constant 2 : i32
    %dma_start3A_364 = arith.constant 0 : i32
    %dma_start3A_365 = arith.constant 0 : i32
    %dma_start3A_366 = arith.constant 0 : i32
    %dma_start3A_367 = tpu.memref_slice %arg6[%dma_start3A_362, %dma_start3A_363, %dma_start3A_365, %dma_start3A_366] : memref<2x3x128x64xf32, #tpu.memory_space<vmem>> -> memref<1x1x128x64xf32, #tpu.memory_space<vmem>>
    %dma_start3A_368 = tpu.memref_squeeze %dma_start3A_367 : memref<1x1x128x64xf32, #tpu.memory_space<vmem>> -> memref<128x64xf32, #tpu.memory_space<vmem>>
    %dma_start3A_369 = arith.constant 1024 : i32
    %dma_start3A_370 = tpu.memref_slice %arg5[%dma_start3A_369] : memref<1152xi32, #tpu.memory_space<vmem>> -> memref<128xi32, #tpu.memory_space<vmem>>
    %dma_start3A_371 = arith.constant 0 : i32
    %dma_start3A_372 = arith.constant 0 : i32
    %dma_start3A_373 = tpu.memref_slice %arg2[%dma_start3A_371, %dma_start3A_372] : memref<1024x64xf32, #tpu.memory_space<hbm>> -> memref<1024x64xf32, #tpu.memory_space<hbm>>
    %dma_start3A_374 = tpu.memref_slice %arg7[%dma_start3A_364] : memref<2x!tpu.dma_semaphore, #tpu.memory_space<semaphore_mem>> -> memref<1x!tpu.dma_semaphore, #tpu.memory_space<semaphore_mem>>
    %dma_start3A_375 = tpu.memref_squeeze %dma_start3A_374 : memref<1x!tpu.dma_semaphore, #tpu.memory_space<semaphore_mem>> -> memref<!tpu.dma_semaphore, #tpu.memory_space<semaphore_mem>>
    tpu.enqueue_indirect_dma source(%dma_start3A_373 : memref<1024x64xf32, #tpu.memory_space<hbm>>) target(%dma_start3A_368 : memref<128x64xf32, #tpu.memory_space<vmem>>) offsets(%dma_start3A_370 : memref<128xi32, #tpu.memory_space<vmem>>) semaphore(%dma_start3A_375 : memref<!tpu.dma_semaphore, #tpu.memory_space<semaphore_mem>>)
    %dma_wait3A_376 = arith.constant 0 : i32
    %dma_wait3A_377 = arith.constant 0 : i32
    %dma_wait3A_378 = arith.constant 0 : i32
    %dma_wait3A_379 = arith.constant 0 : i32
    %dma_wait3A_380 = arith.constant 0 : i32
    %dma_wait3A_381 = tpu.memref_slice %arg6[%dma_wait3A_376, %dma_wait3A_377, %dma_wait3A_379, %dma_wait3A_380] : memref<2x3x128x64xf32, #tpu.memory_space<vmem>> -> memref<1x1x128x64xf32, #tpu.memory_space<vmem>>
    %dma_wait3A_382 = tpu.memref_squeeze %dma_wait3A_381 : memref<1x1x128x64xf32, #tpu.memory_space<vmem>> -> memref<128x64xf32, #tpu.memory_space<vmem>>
    %dma_wait3A_383 = arith.constant 768 : i32
    %dma_wait3A_384 = tpu.memref_slice %arg5[%dma_wait3A_383] : memref<1152xi32, #tpu.memory_space<vmem>> -> memref<128xi32, #tpu.memory_space<vmem>>
    %dma_wait3A_385 = arith.constant 0 : i32
    %dma_wait3A_386 = arith.constant 0 : i32
    %dma_wait3A_387 = tpu.memref_slice %arg2[%dma_wait3A_385, %dma_wait3A_386] : memref<1024x64xf32, #tpu.memory_space<hbm>> -> memref<1024x64xf32, #tpu.memory_space<hbm>>
    %dma_wait3A_388 = tpu.memref_slice %arg7[%dma_wait3A_378] : memref<2x!tpu.dma_semaphore, #tpu.memory_space<semaphore_mem>> -> memref<1x!tpu.dma_semaphore, #tpu.memory_space<semaphore_mem>>
    %dma_wait3A_389 = tpu.memref_squeeze %dma_wait3A_388 : memref<1x!tpu.dma_semaphore, #tpu.memory_space<semaphore_mem>> -> memref<!tpu.dma_semaphore, #tpu.memory_space<semaphore_mem>>
    tpu.wait_indirect_dma semaphore(%dma_wait3A_389 : memref<!tpu.dma_semaphore, #tpu.memory_space<semaphore_mem>>) src(%dma_wait3A_387 : memref<1024x64xf32, #tpu.memory_space<hbm>>) dst(%dma_wait3A_382 : memref<128x64xf32, #tpu.memory_space<vmem>>)
    %add3A_390 = arith.constant 768 : i32
    %add3A_391 = arith.addi %mul3A_2, %add3A_390 : i32
    %dma_start3A_392 = arith.constant 0 : i32
    %dma_start3A_393 = arith.constant 0 : i32
    %dma_start3A_394 = arith.constant 0 : i32
    %dma_start3A_395 = arith.constant 0 : i32
    %dma_start3A_396 = arith.constant 0 : i32
    %dma_start3A_397 = tpu.memref_slice %arg6[%dma_start3A_392, %dma_start3A_393, %dma_start3A_395, %dma_start3A_396] : memref<2x3x128x64xf32, #tpu.memory_space<vmem>> -> memref<1x1x128x64xf32, #tpu.memory_space<vmem>>
    %dma_start3A_398 = tpu.memref_squeeze %dma_start3A_397 : memref<1x1x128x64xf32, #tpu.memory_space<vmem>> -> memref<128x64xf32, #tpu.memory_space<vmem>>
    %dma_start3A_399 = arith.constant 0 : i32
    %dma_start3A_400 = tpu.memref_slice %arg4[%add3A_391, %dma_start3A_399] : memref<36864x64xf32, #tpu.memory_space<hbm>> -> memref<128x64xf32, #tpu.memory_space<hbm>>
    %dma_start3A_401 = tpu.memref_slice %arg8[%dma_start3A_394] : memref<2x!tpu.dma_semaphore, #tpu.memory_space<semaphore_mem>> -> memref<1x!tpu.dma_semaphore, #tpu.memory_space<semaphore_mem>>
    %dma_start3A_402 = tpu.memref_squeeze %dma_start3A_401 : memref<1x!tpu.dma_semaphore, #tpu.memory_space<semaphore_mem>> -> memref<!tpu.dma_semaphore, #tpu.memory_space<semaphore_mem>>
    %dma_start3A_403 = arith.constant 0 : i32
    %dma_start3A_404 = tpu.memref_slice %arg4[%add3A_391, %dma_start3A_403] : memref<36864x64xf32, #tpu.memory_space<hbm>> -> memref<128x64xf32, #tpu.memory_space<hbm>>
    %dma_start3A_405 = arith.constant 0 : i32
    %dma_start3A_406 = arith.constant 0 : i32
    %dma_start3A_407 = tpu.memref_slice %arg6[%dma_start3A_392, %dma_start3A_393, %dma_start3A_405, %dma_start3A_406] : memref<2x3x128x64xf32, #tpu.memory_space<vmem>> -> memref<1x1x128x64xf32, #tpu.memory_space<vmem>>
    %dma_start3A_408 = tpu.memref_squeeze %dma_start3A_407 : memref<1x1x128x64xf32, #tpu.memory_space<vmem>> -> memref<128x64xf32, #tpu.memory_space<vmem>>
    tpu.enqueue_dma source(%dma_start3A_408 : memref<128x64xf32, #tpu.memory_space<vmem>>) target(%dma_start3A_404 : memref<128x64xf32, #tpu.memory_space<hbm>>) target_semaphore(%dma_start3A_402 : memref<!tpu.dma_semaphore, #tpu.memory_space<semaphore_mem>>)
    %dma_wait3A_409 = arith.constant 0 : i32
    %dma_wait3A_410 = arith.constant 1 : i32
    %dma_wait3A_411 = arith.constant 0 : i32
    %dma_wait3A_412 = arith.constant 0 : i32
    %dma_wait3A_413 = arith.constant 0 : i32
    %dma_wait3A_414 = tpu.memref_slice %arg6[%dma_wait3A_409, %dma_wait3A_410, %dma_wait3A_412, %dma_wait3A_413] : memref<2x3x128x64xf32, #tpu.memory_space<vmem>> -> memref<1x1x128x64xf32, #tpu.memory_space<vmem>>
    %dma_wait3A_415 = tpu.memref_squeeze %dma_wait3A_414 : memref<1x1x128x64xf32, #tpu.memory_space<vmem>> -> memref<128x64xf32, #tpu.memory_space<vmem>>
    %dma_wait3A_416 = arith.constant 896 : i32
    %dma_wait3A_417 = tpu.memref_slice %arg5[%dma_wait3A_416] : memref<1152xi32, #tpu.memory_space<vmem>> -> memref<128xi32, #tpu.memory_space<vmem>>
    %dma_wait3A_418 = arith.constant 0 : i32
    %dma_wait3A_419 = arith.constant 0 : i32
    %dma_wait3A_420 = tpu.memref_slice %arg2[%dma_wait3A_418, %dma_wait3A_419] : memref<1024x64xf32, #tpu.memory_space<hbm>> -> memref<1024x64xf32, #tpu.memory_space<hbm>>
    %dma_wait3A_421 = tpu.memref_slice %arg7[%dma_wait3A_411] : memref<2x!tpu.dma_semaphore, #tpu.memory_space<semaphore_mem>> -> memref<1x!tpu.dma_semaphore, #tpu.memory_space<semaphore_mem>>
    %dma_wait3A_422 = tpu.memref_squeeze %dma_wait3A_421 : memref<1x!tpu.dma_semaphore, #tpu.memory_space<semaphore_mem>> -> memref<!tpu.dma_semaphore, #tpu.memory_space<semaphore_mem>>
    tpu.wait_indirect_dma semaphore(%dma_wait3A_422 : memref<!tpu.dma_semaphore, #tpu.memory_space<semaphore_mem>>) src(%dma_wait3A_420 : memref<1024x64xf32, #tpu.memory_space<hbm>>) dst(%dma_wait3A_415 : memref<128x64xf32, #tpu.memory_space<vmem>>)
    %add3A_423 = arith.constant 896 : i32
    %add3A_424 = arith.addi %mul3A_2, %add3A_423 : i32
    %dma_start3A_425 = arith.constant 0 : i32
    %dma_start3A_426 = arith.constant 1 : i32
    %dma_start3A_427 = arith.constant 0 : i32
    %dma_start3A_428 = arith.constant 0 : i32
    %dma_start3A_429 = arith.constant 0 : i32
    %dma_start3A_430 = tpu.memref_slice %arg6[%dma_start3A_425, %dma_start3A_426, %dma_start3A_428, %dma_start3A_429] : memref<2x3x128x64xf32, #tpu.memory_space<vmem>> -> memref<1x1x128x64xf32, #tpu.memory_space<vmem>>
    %dma_start3A_431 = tpu.memref_squeeze %dma_start3A_430 : memref<1x1x128x64xf32, #tpu.memory_space<vmem>> -> memref<128x64xf32, #tpu.memory_space<vmem>>
    %dma_start3A_432 = arith.constant 0 : i32
    %dma_start3A_433 = tpu.memref_slice %arg4[%add3A_424, %dma_start3A_432] : memref<36864x64xf32, #tpu.memory_space<hbm>> -> memref<128x64xf32, #tpu.memory_space<hbm>>
    %dma_start3A_434 = tpu.memref_slice %arg8[%dma_start3A_427] : memref<2x!tpu.dma_semaphore, #tpu.memory_space<semaphore_mem>> -> memref<1x!tpu.dma_semaphore, #tpu.memory_space<semaphore_mem>>
    %dma_start3A_435 = tpu.memref_squeeze %dma_start3A_434 : memref<1x!tpu.dma_semaphore, #tpu.memory_space<semaphore_mem>> -> memref<!tpu.dma_semaphore, #tpu.memory_space<semaphore_mem>>
    %dma_start3A_436 = arith.constant 0 : i32
    %dma_start3A_437 = tpu.memref_slice %arg4[%add3A_424, %dma_start3A_436] : memref<36864x64xf32, #tpu.memory_space<hbm>> -> memref<128x64xf32, #tpu.memory_space<hbm>>
    %dma_start3A_438 = arith.constant 0 : i32
    %dma_start3A_439 = arith.constant 0 : i32
    %dma_start3A_440 = tpu.memref_slice %arg6[%dma_start3A_425, %dma_start3A_426, %dma_start3A_438, %dma_start3A_439] : memref<2x3x128x64xf32, #tpu.memory_space<vmem>> -> memref<1x1x128x64xf32, #tpu.memory_space<vmem>>
    %dma_start3A_441 = tpu.memref_squeeze %dma_start3A_440 : memref<1x1x128x64xf32, #tpu.memory_space<vmem>> -> memref<128x64xf32, #tpu.memory_space<vmem>>
    tpu.enqueue_dma source(%dma_start3A_441 : memref<128x64xf32, #tpu.memory_space<vmem>>) target(%dma_start3A_437 : memref<128x64xf32, #tpu.memory_space<hbm>>) target_semaphore(%dma_start3A_435 : memref<!tpu.dma_semaphore, #tpu.memory_space<semaphore_mem>>)
    %dma_wait3A_442 = arith.constant 0 : i32
    %dma_wait3A_443 = arith.constant 2 : i32
    %dma_wait3A_444 = arith.constant 0 : i32
    %dma_wait3A_445 = arith.constant 0 : i32
    %dma_wait3A_446 = arith.constant 0 : i32
    %dma_wait3A_447 = tpu.memref_slice %arg6[%dma_wait3A_442, %dma_wait3A_443, %dma_wait3A_445, %dma_wait3A_446] : memref<2x3x128x64xf32, #tpu.memory_space<vmem>> -> memref<1x1x128x64xf32, #tpu.memory_space<vmem>>
    %dma_wait3A_448 = tpu.memref_squeeze %dma_wait3A_447 : memref<1x1x128x64xf32, #tpu.memory_space<vmem>> -> memref<128x64xf32, #tpu.memory_space<vmem>>
    %dma_wait3A_449 = arith.constant 1024 : i32
    %dma_wait3A_450 = tpu.memref_slice %arg5[%dma_wait3A_449] : memref<1152xi32, #tpu.memory_space<vmem>> -> memref<128xi32, #tpu.memory_space<vmem>>
    %dma_wait3A_451 = arith.constant 0 : i32
    %dma_wait3A_452 = arith.constant 0 : i32
    %dma_wait3A_453 = tpu.memref_slice %arg2[%dma_wait3A_451, %dma_wait3A_452] : memref<1024x64xf32, #tpu.memory_space<hbm>> -> memref<1024x64xf32, #tpu.memory_space<hbm>>
    %dma_wait3A_454 = tpu.memref_slice %arg7[%dma_wait3A_444] : memref<2x!tpu.dma_semaphore, #tpu.memory_space<semaphore_mem>> -> memref<1x!tpu.dma_semaphore, #tpu.memory_space<semaphore_mem>>
    %dma_wait3A_455 = tpu.memref_squeeze %dma_wait3A_454 : memref<1x!tpu.dma_semaphore, #tpu.memory_space<semaphore_mem>> -> memref<!tpu.dma_semaphore, #tpu.memory_space<semaphore_mem>>
    tpu.wait_indirect_dma semaphore(%dma_wait3A_455 : memref<!tpu.dma_semaphore, #tpu.memory_space<semaphore_mem>>) src(%dma_wait3A_453 : memref<1024x64xf32, #tpu.memory_space<hbm>>) dst(%dma_wait3A_448 : memref<128x64xf32, #tpu.memory_space<vmem>>)
    %add3A_456 = arith.constant 1024 : i32
    %add3A_457 = arith.addi %mul3A_2, %add3A_456 : i32
    %dma_start3A_458 = arith.constant 0 : i32
    %dma_start3A_459 = arith.constant 2 : i32
    %dma_start3A_460 = arith.constant 0 : i32
    %dma_start3A_461 = arith.constant 0 : i32
    %dma_start3A_462 = arith.constant 0 : i32
    %dma_start3A_463 = tpu.memref_slice %arg6[%dma_start3A_458, %dma_start3A_459, %dma_start3A_461, %dma_start3A_462] : memref<2x3x128x64xf32, #tpu.memory_space<vmem>> -> memref<1x1x128x64xf32, #tpu.memory_space<vmem>>
    %dma_start3A_464 = tpu.memref_squeeze %dma_start3A_463 : memref<1x1x128x64xf32, #tpu.memory_space<vmem>> -> memref<128x64xf32, #tpu.memory_space<vmem>>
    %dma_start3A_465 = arith.constant 0 : i32
    %dma_start3A_466 = tpu.memref_slice %arg4[%add3A_457, %dma_start3A_465] : memref<36864x64xf32, #tpu.memory_space<hbm>> -> memref<128x64xf32, #tpu.memory_space<hbm>>
    %dma_start3A_467 = tpu.memref_slice %arg8[%dma_start3A_460] : memref<2x!tpu.dma_semaphore, #tpu.memory_space<semaphore_mem>> -> memref<1x!tpu.dma_semaphore, #tpu.memory_space<semaphore_mem>>
    %dma_start3A_468 = tpu.memref_squeeze %dma_start3A_467 : memref<1x!tpu.dma_semaphore, #tpu.memory_space<semaphore_mem>> -> memref<!tpu.dma_semaphore, #tpu.memory_space<semaphore_mem>>
    %dma_start3A_469 = arith.constant 0 : i32
    %dma_start3A_470 = tpu.memref_slice %arg4[%add3A_457, %dma_start3A_469] : memref<36864x64xf32, #tpu.memory_space<hbm>> -> memref<128x64xf32, #tpu.memory_space<hbm>>
    %dma_start3A_471 = arith.constant 0 : i32
    %dma_start3A_472 = arith.constant 0 : i32
    %dma_start3A_473 = tpu.memref_slice %arg6[%dma_start3A_458, %dma_start3A_459, %dma_start3A_471, %dma_start3A_472] : memref<2x3x128x64xf32, #tpu.memory_space<vmem>> -> memref<1x1x128x64xf32, #tpu.memory_space<vmem>>
    %dma_start3A_474 = tpu.memref_squeeze %dma_start3A_473 : memref<1x1x128x64xf32, #tpu.memory_space<vmem>> -> memref<128x64xf32, #tpu.memory_space<vmem>>
    tpu.enqueue_dma source(%dma_start3A_474 : memref<128x64xf32, #tpu.memory_space<vmem>>) target(%dma_start3A_470 : memref<128x64xf32, #tpu.memory_space<hbm>>) target_semaphore(%dma_start3A_468 : memref<!tpu.dma_semaphore, #tpu.memory_space<semaphore_mem>>)
    %dma_wait3A_475 = arith.constant 1 : i32
    %dma_wait3A_476 = arith.constant 0 : i32
    %dma_wait3A_477 = arith.constant 1 : i32
    %dma_wait3A_478 = arith.constant 0 : i32
    %dma_wait3A_479 = arith.constant 0 : i32
    %dma_wait3A_480 = tpu.memref_slice %arg6[%dma_wait3A_475, %dma_wait3A_476, %dma_wait3A_478, %dma_wait3A_479] : memref<2x3x128x64xf32, #tpu.memory_space<vmem>> -> memref<1x1x128x64xf32, #tpu.memory_space<vmem>>
    %dma_wait3A_481 = tpu.memref_squeeze %dma_wait3A_480 : memref<1x1x128x64xf32, #tpu.memory_space<vmem>> -> memref<128x64xf32, #tpu.memory_space<vmem>>
    %dma_wait3A_482 = arith.constant 0 : i32
    %dma_wait3A_483 = tpu.memref_slice %arg4[%add3A_199, %dma_wait3A_482] : memref<36864x64xf32, #tpu.memory_space<hbm>> -> memref<128x64xf32, #tpu.memory_space<hbm>>
    %dma_wait3A_484 = tpu.memref_slice %arg8[%dma_wait3A_477] : memref<2x!tpu.dma_semaphore, #tpu.memory_space<semaphore_mem>> -> memref<1x!tpu.dma_semaphore, #tpu.memory_space<semaphore_mem>>
    %dma_wait3A_485 = tpu.memref_squeeze %dma_wait3A_484 : memref<1x!tpu.dma_semaphore, #tpu.memory_space<semaphore_mem>> -> memref<!tpu.dma_semaphore, #tpu.memory_space<semaphore_mem>>
    %dma_wait3A_486 = arith.constant 0 : i32
    %dma_wait3A_487 = tpu.memref_slice %arg4[%add3A_199, %dma_wait3A_486] : memref<36864x64xf32, #tpu.memory_space<hbm>> -> memref<128x64xf32, #tpu.memory_space<hbm>>
    %dma_wait3A_488 = arith.constant 0 : i32
    %dma_wait3A_489 = arith.constant 0 : i32
    %dma_wait3A_490 = tpu.memref_slice %arg6[%dma_wait3A_475, %dma_wait3A_476, %dma_wait3A_488, %dma_wait3A_489] : memref<2x3x128x64xf32, #tpu.memory_space<vmem>> -> memref<1x1x128x64xf32, #tpu.memory_space<vmem>>
    %dma_wait3A_491 = tpu.memref_squeeze %dma_wait3A_490 : memref<1x1x128x64xf32, #tpu.memory_space<vmem>> -> memref<128x64xf32, #tpu.memory_space<vmem>>
    tpu.wait_dma2 semaphore(%dma_wait3A_485 : memref<!tpu.dma_semaphore, #tpu.memory_space<semaphore_mem>>) src(%dma_wait3A_491 : memref<128x64xf32, #tpu.memory_space<vmem>>) dst(%dma_wait3A_487 : memref<128x64xf32, #tpu.memory_space<hbm>>)
    %dma_wait3A_492 = arith.constant 1 : i32
    %dma_wait3A_493 = arith.constant 1 : i32
    %dma_wait3A_494 = arith.constant 1 : i32
    %dma_wait3A_495 = arith.constant 0 : i32
    %dma_wait3A_496 = arith.constant 0 : i32
    %dma_wait3A_497 = tpu.memref_slice %arg6[%dma_wait3A_492, %dma_wait3A_493, %dma_wait3A_495, %dma_wait3A_496] : memref<2x3x128x64xf32, #tpu.memory_space<vmem>> -> memref<1x1x128x64xf32, #tpu.memory_space<vmem>>
    %dma_wait3A_498 = tpu.memref_squeeze %dma_wait3A_497 : memref<1x1x128x64xf32, #tpu.memory_space<vmem>> -> memref<128x64xf32, #tpu.memory_space<vmem>>
    %dma_wait3A_499 = arith.constant 0 : i32
    %dma_wait3A_500 = tpu.memref_slice %arg4[%add3A_232, %dma_wait3A_499] : memref<36864x64xf32, #tpu.memory_space<hbm>> -> memref<128x64xf32, #tpu.memory_space<hbm>>
    %dma_wait3A_501 = tpu.memref_slice %arg8[%dma_wait3A_494] : memref<2x!tpu.dma_semaphore, #tpu.memory_space<semaphore_mem>> -> memref<1x!tpu.dma_semaphore, #tpu.memory_space<semaphore_mem>>
    %dma_wait3A_502 = tpu.memref_squeeze %dma_wait3A_501 : memref<1x!tpu.dma_semaphore, #tpu.memory_space<semaphore_mem>> -> memref<!tpu.dma_semaphore, #tpu.memory_space<semaphore_mem>>
    %dma_wait3A_503 = arith.constant 0 : i32
    %dma_wait3A_504 = tpu.memref_slice %arg4[%add3A_232, %dma_wait3A_503] : memref<36864x64xf32, #tpu.memory_space<hbm>> -> memref<128x64xf32, #tpu.memory_space<hbm>>
    %dma_wait3A_505 = arith.constant 0 : i32
    %dma_wait3A_506 = arith.constant 0 : i32
    %dma_wait3A_507 = tpu.memref_slice %arg6[%dma_wait3A_492, %dma_wait3A_493, %dma_wait3A_505, %dma_wait3A_506] : memref<2x3x128x64xf32, #tpu.memory_space<vmem>> -> memref<1x1x128x64xf32, #tpu.memory_space<vmem>>
    %dma_wait3A_508 = tpu.memref_squeeze %dma_wait3A_507 : memref<1x1x128x64xf32, #tpu.memory_space<vmem>> -> memref<128x64xf32, #tpu.memory_space<vmem>>
    tpu.wait_dma2 semaphore(%dma_wait3A_502 : memref<!tpu.dma_semaphore, #tpu.memory_space<semaphore_mem>>) src(%dma_wait3A_508 : memref<128x64xf32, #tpu.memory_space<vmem>>) dst(%dma_wait3A_504 : memref<128x64xf32, #tpu.memory_space<hbm>>)
    %dma_wait3A_509 = arith.constant 1 : i32
    %dma_wait3A_510 = arith.constant 2 : i32
    %dma_wait3A_511 = arith.constant 1 : i32
    %dma_wait3A_512 = arith.constant 0 : i32
    %dma_wait3A_513 = arith.constant 0 : i32
    %dma_wait3A_514 = tpu.memref_slice %arg6[%dma_wait3A_509, %dma_wait3A_510, %dma_wait3A_512, %dma_wait3A_513] : memref<2x3x128x64xf32, #tpu.memory_space<vmem>> -> memref<1x1x128x64xf32, #tpu.memory_space<vmem>>
    %dma_wait3A_515 = tpu.memref_squeeze %dma_wait3A_514 : memref<1x1x128x64xf32, #tpu.memory_space<vmem>> -> memref<128x64xf32, #tpu.memory_space<vmem>>
    %dma_wait3A_516 = arith.constant 0 : i32
    %dma_wait3A_517 = tpu.memref_slice %arg4[%add3A_265, %dma_wait3A_516] : memref<36864x64xf32, #tpu.memory_space<hbm>> -> memref<128x64xf32, #tpu.memory_space<hbm>>
    %dma_wait3A_518 = tpu.memref_slice %arg8[%dma_wait3A_511] : memref<2x!tpu.dma_semaphore, #tpu.memory_space<semaphore_mem>> -> memref<1x!tpu.dma_semaphore, #tpu.memory_space<semaphore_mem>>
    %dma_wait3A_519 = tpu.memref_squeeze %dma_wait3A_518 : memref<1x!tpu.dma_semaphore, #tpu.memory_space<semaphore_mem>> -> memref<!tpu.dma_semaphore, #tpu.memory_space<semaphore_mem>>
    %dma_wait3A_520 = arith.constant 0 : i32
    %dma_wait3A_521 = tpu.memref_slice %arg4[%add3A_265, %dma_wait3A_520] : memref<36864x64xf32, #tpu.memory_space<hbm>> -> memref<128x64xf32, #tpu.memory_space<hbm>>
    %dma_wait3A_522 = arith.constant 0 : i32
    %dma_wait3A_523 = arith.constant 0 : i32
    %dma_wait3A_524 = tpu.memref_slice %arg6[%dma_wait3A_509, %dma_wait3A_510, %dma_wait3A_522, %dma_wait3A_523] : memref<2x3x128x64xf32, #tpu.memory_space<vmem>> -> memref<1x1x128x64xf32, #tpu.memory_space<vmem>>
    %dma_wait3A_525 = tpu.memref_squeeze %dma_wait3A_524 : memref<1x1x128x64xf32, #tpu.memory_space<vmem>> -> memref<128x64xf32, #tpu.memory_space<vmem>>
    tpu.wait_dma2 semaphore(%dma_wait3A_519 : memref<!tpu.dma_semaphore, #tpu.memory_space<semaphore_mem>>) src(%dma_wait3A_525 : memref<128x64xf32, #tpu.memory_space<vmem>>) dst(%dma_wait3A_521 : memref<128x64xf32, #tpu.memory_space<hbm>>)
    %dma_wait3A_526 = arith.constant 0 : i32
    %dma_wait3A_527 = arith.constant 0 : i32
    %dma_wait3A_528 = arith.constant 0 : i32
    %dma_wait3A_529 = arith.constant 0 : i32
    %dma_wait3A_530 = arith.constant 0 : i32
    %dma_wait3A_531 = tpu.memref_slice %arg6[%dma_wait3A_526, %dma_wait3A_527, %dma_wait3A_529, %dma_wait3A_530] : memref<2x3x128x64xf32, #tpu.memory_space<vmem>> -> memref<1x1x128x64xf32, #tpu.memory_space<vmem>>
    %dma_wait3A_532 = tpu.memref_squeeze %dma_wait3A_531 : memref<1x1x128x64xf32, #tpu.memory_space<vmem>> -> memref<128x64xf32, #tpu.memory_space<vmem>>
    %dma_wait3A_533 = arith.constant 0 : i32
    %dma_wait3A_534 = tpu.memref_slice %arg4[%add3A_391, %dma_wait3A_533] : memref<36864x64xf32, #tpu.memory_space<hbm>> -> memref<128x64xf32, #tpu.memory_space<hbm>>
    %dma_wait3A_535 = tpu.memref_slice %arg8[%dma_wait3A_528] : memref<2x!tpu.dma_semaphore, #tpu.memory_space<semaphore_mem>> -> memref<1x!tpu.dma_semaphore, #tpu.memory_space<semaphore_mem>>
    %dma_wait3A_536 = tpu.memref_squeeze %dma_wait3A_535 : memref<1x!tpu.dma_semaphore, #tpu.memory_space<semaphore_mem>> -> memref<!tpu.dma_semaphore, #tpu.memory_space<semaphore_mem>>
    %dma_wait3A_537 = arith.constant 0 : i32
    %dma_wait3A_538 = tpu.memref_slice %arg4[%add3A_391, %dma_wait3A_537] : memref<36864x64xf32, #tpu.memory_space<hbm>> -> memref<128x64xf32, #tpu.memory_space<hbm>>
    %dma_wait3A_539 = arith.constant 0 : i32
    %dma_wait3A_540 = arith.constant 0 : i32
    %dma_wait3A_541 = tpu.memref_slice %arg6[%dma_wait3A_526, %dma_wait3A_527, %dma_wait3A_539, %dma_wait3A_540] : memref<2x3x128x64xf32, #tpu.memory_space<vmem>> -> memref<1x1x128x64xf32, #tpu.memory_space<vmem>>
    %dma_wait3A_542 = tpu.memref_squeeze %dma_wait3A_541 : memref<1x1x128x64xf32, #tpu.memory_space<vmem>> -> memref<128x64xf32, #tpu.memory_space<vmem>>
    tpu.wait_dma2 semaphore(%dma_wait3A_536 : memref<!tpu.dma_semaphore, #tpu.memory_space<semaphore_mem>>) src(%dma_wait3A_542 : memref<128x64xf32, #tpu.memory_space<vmem>>) dst(%dma_wait3A_538 : memref<128x64xf32, #tpu.memory_space<hbm>>)
    %dma_wait3A_543 = arith.constant 0 : i32
    %dma_wait3A_544 = arith.constant 1 : i32
    %dma_wait3A_545 = arith.constant 0 : i32
    %dma_wait3A_546 = arith.constant 0 : i32
    %dma_wait3A_547 = arith.constant 0 : i32
    %dma_wait3A_548 = tpu.memref_slice %arg6[%dma_wait3A_543, %dma_wait3A_544, %dma_wait3A_546, %dma_wait3A_547] : memref<2x3x128x64xf32, #tpu.memory_space<vmem>> -> memref<1x1x128x64xf32, #tpu.memory_space<vmem>>
    %dma_wait3A_549 = tpu.memref_squeeze %dma_wait3A_548 : memref<1x1x128x64xf32, #tpu.memory_space<vmem>> -> memref<128x64xf32, #tpu.memory_space<vmem>>
    %dma_wait3A_550 = arith.constant 0 : i32
    %dma_wait3A_551 = tpu.memref_slice %arg4[%add3A_424, %dma_wait3A_550] : memref<36864x64xf32, #tpu.memory_space<hbm>> -> memref<128x64xf32, #tpu.memory_space<hbm>>
    %dma_wait3A_552 = tpu.memref_slice %arg8[%dma_wait3A_545] : memref<2x!tpu.dma_semaphore, #tpu.memory_space<semaphore_mem>> -> memref<1x!tpu.dma_semaphore, #tpu.memory_space<semaphore_mem>>
    %dma_wait3A_553 = tpu.memref_squeeze %dma_wait3A_552 : memref<1x!tpu.dma_semaphore, #tpu.memory_space<semaphore_mem>> -> memref<!tpu.dma_semaphore, #tpu.memory_space<semaphore_mem>>
    %dma_wait3A_554 = arith.constant 0 : i32
    %dma_wait3A_555 = tpu.memref_slice %arg4[%add3A_424, %dma_wait3A_554] : memref<36864x64xf32, #tpu.memory_space<hbm>> -> memref<128x64xf32, #tpu.memory_space<hbm>>
    %dma_wait3A_556 = arith.constant 0 : i32
    %dma_wait3A_557 = arith.constant 0 : i32
    %dma_wait3A_558 = tpu.memref_slice %arg6[%dma_wait3A_543, %dma_wait3A_544, %dma_wait3A_556, %dma_wait3A_557] : memref<2x3x128x64xf32, #tpu.memory_space<vmem>> -> memref<1x1x128x64xf32, #tpu.memory_space<vmem>>
    %dma_wait3A_559 = tpu.memref_squeeze %dma_wait3A_558 : memref<1x1x128x64xf32, #tpu.memory_space<vmem>> -> memref<128x64xf32, #tpu.memory_space<vmem>>
    tpu.wait_dma2 semaphore(%dma_wait3A_553 : memref<!tpu.dma_semaphore, #tpu.memory_space<semaphore_mem>>) src(%dma_wait3A_559 : memref<128x64xf32, #tpu.memory_space<vmem>>) dst(%dma_wait3A_555 : memref<128x64xf32, #tpu.memory_space<hbm>>)
    %dma_wait3A_560 = arith.constant 0 : i32
    %dma_wait3A_561 = arith.constant 2 : i32
    %dma_wait3A_562 = arith.constant 0 : i32
    %dma_wait3A_563 = arith.constant 0 : i32
    %dma_wait3A_564 = arith.constant 0 : i32
    %dma_wait3A_565 = tpu.memref_slice %arg6[%dma_wait3A_560, %dma_wait3A_561, %dma_wait3A_563, %dma_wait3A_564] : memref<2x3x128x64xf32, #tpu.memory_space<vmem>> -> memref<1x1x128x64xf32, #tpu.memory_space<vmem>>
    %dma_wait3A_566 = tpu.memref_squeeze %dma_wait3A_565 : memref<1x1x128x64xf32, #tpu.memory_space<vmem>> -> memref<128x64xf32, #tpu.memory_space<vmem>>
    %dma_wait3A_567 = arith.constant 0 : i32
    %dma_wait3A_568 = tpu.memref_slice %arg4[%add3A_457, %dma_wait3A_567] : memref<36864x64xf32, #tpu.memory_space<hbm>> -> memref<128x64xf32, #tpu.memory_space<hbm>>
    %dma_wait3A_569 = tpu.memref_slice %arg8[%dma_wait3A_562] : memref<2x!tpu.dma_semaphore, #tpu.memory_space<semaphore_mem>> -> memref<1x!tpu.dma_semaphore, #tpu.memory_space<semaphore_mem>>
    %dma_wait3A_570 = tpu.memref_squeeze %dma_wait3A_569 : memref<1x!tpu.dma_semaphore, #tpu.memory_space<semaphore_mem>> -> memref<!tpu.dma_semaphore, #tpu.memory_space<semaphore_mem>>
    %dma_wait3A_571 = arith.constant 0 : i32
    %dma_wait3A_572 = tpu.memref_slice %arg4[%add3A_457, %dma_wait3A_571] : memref<36864x64xf32, #tpu.memory_space<hbm>> -> memref<128x64xf32, #tpu.memory_space<hbm>>
    %dma_wait3A_573 = arith.constant 0 : i32
    %dma_wait3A_574 = arith.constant 0 : i32
    %dma_wait3A_575 = tpu.memref_slice %arg6[%dma_wait3A_560, %dma_wait3A_561, %dma_wait3A_573, %dma_wait3A_574] : memref<2x3x128x64xf32, #tpu.memory_space<vmem>> -> memref<1x1x128x64xf32, #tpu.memory_space<vmem>>
    %dma_wait3A_576 = tpu.memref_squeeze %dma_wait3A_575 : memref<1x1x128x64xf32, #tpu.memory_space<vmem>> -> memref<128x64xf32, #tpu.memory_space<vmem>>
    tpu.wait_dma2 semaphore(%dma_wait3A_570 : memref<!tpu.dma_semaphore, #tpu.memory_space<semaphore_mem>>) src(%dma_wait3A_576 : memref<128x64xf32, #tpu.memory_space<vmem>>) dst(%dma_wait3A_572 : memref<128x64xf32, #tpu.memory_space<hbm>>)
    return
  }
}

module attributes {stable_mosaic.version = 14 : i64} {
  func.func @_argmin_kernel(%arg0: i32, %arg1: memref<512x64xf32, #tpu.memory_space<vmem>>, %arg2: memref<1024x64xf32, #tpu.memory_space<vmem>>, %arg3: memref<1024xf32, #tpu.memory_space<vmem>>, %arg4: memref<512xi32, #tpu.memory_space<vmem>>, %arg5: memref<1x1xf32, #tpu.memory_space<smem>>, %arg6: memref<1x1xf32, #tpu.memory_space<smem>>) attributes {dimension_semantics = [#tpu.dimension_semantics<arbitrary>], iteration_bounds = array<i64: 72>, scalar_prefetch = 0 : i64, scratch_operands = 1 : i64, tpu.core_type = #tpu.core_type<tc>, window_params = [{transform_indices = @transform_0, window_bounds = array<i64: 512, 64>}, {pipeline_mode = #tpu.pipeline_mode<synchronous>, transform_indices = @transform_1, window_bounds = array<i64: 1024, 64>}, {pipeline_mode = #tpu.pipeline_mode<synchronous>, transform_indices = @transform_2, window_bounds = array<i64: 1024>}, {transform_indices = @transform_3, window_bounds = array<i64: 512>}, {transform_indices = @transform_4, window_bounds = array<i64: 1, 1>}]} {
    %get3A = arith.constant 0 : index
    %get3A_0 = arith.constant 0 : index
    %get3A_1 = vector.load %arg1[%get3A, %get3A_0] : memref<512x64xf32, #tpu.memory_space<vmem>>, vector<512x64xf32>
    %get3A_2 = arith.constant 0 : index
    %get3A_3 = arith.constant 0 : index
    %get3A_4 = vector.load %arg2[%get3A_2, %get3A_3] : memref<1024x64xf32, #tpu.memory_space<vmem>>, vector<1024x64xf32>
    %get3A_5 = arith.constant 0 : index
    %get3A_6 = vector.load %arg3[%get3A_5] : memref<1024xf32, #tpu.memory_space<vmem>>, vector<1024xf32>
    %mul3A = arith.mulf %get3A_1, %get3A_1 : vector<512x64xf32>
    %reduce_sum3A = arith.constant dense<0.000000e+00> : vector<512xf32>
    %reduce_sum3A_7 = vector.multi_reduction <add>, %mul3A, %reduce_sum3A [1] : vector<512x64xf32> to vector<512xf32>
    %broadcast_in_dim3A = vector.shape_cast %reduce_sum3A_7 : vector<512xf32> to vector<512x1xf32>
    %mul3A_8 = arith.constant -2.000000e+00 : f32
    %mul3A_9 = vector.broadcast %mul3A_8 : f32 to vector<512x64xf32>
    %mul3A_10 = arith.mulf %mul3A_9, %get3A_1 : vector<512x64xf32>
    %dot_general3A = arith.constant dense<0.000000e+00> : vector<512x1024xf32>
    %dot_general3A_11 = tpu.matmul %mul3A_10, %get3A_4, %dot_general3A {dimension_numbers = #tpu.dot_dimension_numbers<[1], [1], [0], [0], [0, 0, 1, 0], [], []>, transpose_lhs_hint = false} : vector<512x64xf32>, vector<1024x64xf32>, vector<512x1024xf32> -> vector<512x1024xf32>
    %broadcast_in_dim3A_12 = vector.shape_cast %get3A_6 : vector<1024xf32> to vector<1x1024xf32>
    %add3A = vector.broadcast %broadcast_in_dim3A : vector<512x1xf32> to vector<512x1024xf32>
    %add3A_13 = vector.broadcast %broadcast_in_dim3A_12 : vector<1x1024xf32> to vector<512x1024xf32>
    %add3A_14 = arith.addf %add3A, %add3A_13 : vector<512x1024xf32>
    %add3A_15 = arith.addf %add3A_14, %dot_general3A_11 : vector<512x1024xf32>
    %reduce_min3A = arith.constant dense<0x7F800000> : vector<512xf32>
    %reduce_min3A_16 = vector.multi_reduction <minimumf>, %add3A_15, %reduce_min3A [1] : vector<512x1024xf32> to vector<512xf32>
    %broadcast_in_dim3A_17 = vector.shape_cast %reduce_min3A_16 : vector<512xf32> to vector<512x1xf32>
    %iota3A = tpu.iota {dimensions = array<i32: 1>} : vector<512x1024xi32>
    %eq3A = vector.broadcast %broadcast_in_dim3A_17 : vector<512x1xf32> to vector<512x1024xf32>
    %eq3A_18 = arith.cmpf oeq, %add3A_15, %eq3A : vector<512x1024xf32>
    %jit3A = arith.constant 1024 : i32
    %broadcast_in_dim3A_19 = vector.broadcast %jit3A : i32 to vector<512x1024xi32>
    %select_n3A = arith.select %eq3A_18, %iota3A, %broadcast_in_dim3A_19 : vector<512x1024xi1>, vector<512x1024xi32>
    %reduce_min3A_20 = arith.constant dense<2147483647> : vector<512xi32>
    %reduce_min3A_21 = vector.multi_reduction <minsi>, %select_n3A, %reduce_min3A_20 [1] : vector<512x1024xi32> to vector<512xi32>
    %swap3A = arith.constant 0 : index
    %swap3A_22 = vector.load %arg4[%swap3A] : memref<512xi32, #tpu.memory_space<vmem>>, vector<512xi32>
    tpu.vector_store %arg4[%swap3A], %reduce_min3A_21 {strides = array<i32>} : memref<512xi32, #tpu.memory_space<vmem>>, vector<512xi32>,
    %reduce_sum3A_23 = vector.shape_cast %broadcast_in_dim3A_17 : vector<512x1xf32> to vector<1x512x1xf32>
    %reduce_sum3A_24 = arith.constant dense<0.000000e+00> : vector<1xf32>
    %reduce_sum3A_25 = vector.multi_reduction <add>, %reduce_sum3A_23, %reduce_sum3A_24 [1, 2] : vector<1x512x1xf32> to vector<1xf32>
    %reduce_sum3A_26 = vector.shape_cast %reduce_sum3A_25 : vector<1xf32> to vector<1x1x1xf32>
    %reduce_sum3A_27 = vector.extract %reduce_sum3A_26[0, 0, 0] : f32 from vector<1x1x1xf32>
    %eq3A_28 = arith.constant 0 : i32
    %eq3A_29 = arith.cmpi eq, %arg0, %eq3A_28 : i32
    %convert_element_type3A = arith.extui %eq3A_29 : i1 to i32
    %cond3A = arith.constant 0 : i32
    %cond3A_30 = arith.cmpi ne, %convert_element_type3A, %cond3A : i32
    scf.if %cond3A_30 {
      %swap3A_40 = arith.constant 0 : index
      %swap3A_41 = arith.constant 0 : index
      %swap3A_42 = memref.load %arg6[%swap3A_40, %swap3A_41] : memref<1x1xf32, #tpu.memory_space<smem>>
      memref.store %reduce_sum3A_27, %arg6[%swap3A_40, %swap3A_41] : memref<1x1xf32, #tpu.memory_space<smem>>
    } else {
    }
    %ne3A = arith.constant 0 : i32
    %ne3A_31 = arith.cmpi ne, %arg0, %ne3A : i32
    %convert_element_type3A_32 = arith.extui %ne3A_31 : i1 to i32
    %cond3A_33 = arith.constant 0 : i32
    %cond3A_34 = arith.cmpi ne, %convert_element_type3A_32, %cond3A_33 : i32
    scf.if %cond3A_34 {
      %get3A_40 = arith.constant 0 : index
      %get3A_41 = arith.constant 0 : index
      %get3A_42 = memref.load %arg6[%get3A_40, %get3A_41] : memref<1x1xf32, #tpu.memory_space<smem>>
      %add3A_43 = arith.addf %get3A_42, %reduce_sum3A_27 : f32
      %swap3A_44 = arith.constant 0 : index
      %swap3A_45 = arith.constant 0 : index
      %swap3A_46 = memref.load %arg6[%swap3A_44, %swap3A_45] : memref<1x1xf32, #tpu.memory_space<smem>>
      memref.store %add3A_43, %arg6[%swap3A_44, %swap3A_45] : memref<1x1xf32, #tpu.memory_space<smem>>
    } else {
    }
    %eq3A_35 = arith.constant 71 : i32
    %eq3A_36 = arith.cmpi eq, %arg0, %eq3A_35 : i32
    %convert_element_type3A_37 = arith.extui %eq3A_36 : i1 to i32
    %cond3A_38 = arith.constant 0 : i32
    %cond3A_39 = arith.cmpi ne, %convert_element_type3A_37, %cond3A_38 : i32
    scf.if %cond3A_39 {
      %get3A_40 = arith.constant 0 : index
      %get3A_41 = arith.constant 0 : index
      %get3A_42 = memref.load %arg6[%get3A_40, %get3A_41] : memref<1x1xf32, #tpu.memory_space<smem>>
      %swap3A_43 = arith.constant 0 : index
      %swap3A_44 = arith.constant 0 : index
      %swap3A_45 = memref.load %arg5[%swap3A_43, %swap3A_44] : memref<1x1xf32, #tpu.memory_space<smem>>
      memref.store %get3A_42, %arg5[%swap3A_43, %swap3A_44] : memref<1x1xf32, #tpu.memory_space<smem>>
    } else {
    }
    return
  }
  func.func @transform_0(%arg0: i32) -> (i32, i32) {
    %c0_i32 = arith.constant 0 : i32
    %c0_i32_0 = arith.constant 0 : i32
    return %arg0, %c0_i32 : i32, i32
  }
  func.func @transform_1(%arg0: i32) -> (i32, i32) {
    %c0_i32 = arith.constant 0 : i32
    %c0_i32_0 = arith.constant 0 : i32
    %c0_i32_1 = arith.constant 0 : i32
    return %c0_i32, %c0_i32_0 : i32, i32
  }
  func.func @transform_2(%arg0: i32) -> i32 {
    %c0_i32 = arith.constant 0 : i32
    %c0_i32_0 = arith.constant 0 : i32
    return %c0_i32 : i32
  }
  func.func @transform_3(%arg0: i32) -> i32 {
    %c0_i32 = arith.constant 0 : i32
    return %arg0 : i32
  }
  func.func @transform_4(%arg0: i32) -> (i32, i32) {
    %c0_i32 = arith.constant 0 : i32
    %c0_i32_0 = arith.constant 0 : i32
    %c0_i32_1 = arith.constant 0 : i32
    return %c0_i32, %c0_i32_0 : i32, i32
  }
}

</mosaic_0001>

<sc_bundles>
// kernel: kernel.4.cloned.1.call-start
scs
__scs_entry_jumppad:
0x0: {  	(pc) =	sbr.rel $0x88, $3  }
0x1: {  	(tag) =	ssettag $0x0;
	lr =	simm.s32 $0x1  }
0x2: {  	[smem:$0x3F9F] =	sst lr;
	_ =	strace $0xD0000000  }
0x3: {  	_ = 	snop  }
0x4: {  	_ = 	snop  }
0x5: {  	_ = 	snop  }
0x6: {  	_ = 	snop  }
0x7: {  	_ = 	snop  }
__scs_overlays_trampoline_lowered:
0x8: {  	[smem:$0x3FAE] =	sst s0  }
0x9: {  	[smem:$0x3FAF] =	sst s1  }
0xa: {  	[smem:$0x3FB0] =	sst s2  }
0xb: {  	[smem:$0x3FB1] =	sst s3  }
0xc: {  	[smem:$0x3FB2] =	sst s4  }
0xd: {  	[smem:$0x3FB3] =	sst s5  }
0xe: {  	[smem:$0x3FB4] =	sst s6  }
0xf: {  	[smem:$0x3FB5] =	sst s7  }
0x10: {  	[smem:$0x3FB6] =	sst s8  }
0x11: {  	[smem:$0x3FB7] =	sst s9;
	s0 =	simm.s32 @!p0 $0x0  }
0x12: {  	s1 =	sld [smem:$0x3F9D];
	s0 =	simm.s32 @p0 $0x1  }
0x13: {  	[smem:$0x3FB8] =	sst s0;
	s0 =	simm.s32 @!p1 $0x0  }
0x14: {  	s2 =	sld [smem:$0x3F9C];
	s0 =	simm.s32 @p1 $0x1  }
0x15: {  	[smem:$0x3FB9] =	sst s0;
	s0 =	simm.s32 @!p2 $0x0  }
0x16: {  	s3 =	sld [smem:$0x3FDB];
	s0 =	simm.s32 @p2 $0x1  }
0x17: {  	s4 =	simm.s32 $0x1BF5;
	[smem:$0x3FBB] =	sst s0  }
0x18: {  	s0 =	sld [smem:$0x3F9E];
	_ =	swait.ge [sflag:s4], $0x0  }
0x19: {  	s7 =	sld [smem:$0x3F9F]  }
0x1a: {  	s8 =	sadd.s32 $0xFFFFE003, lr  }
0x1b: {  	s9 =	sadd.s32 $0xFFFFFEF7, lr;
	s5 =	simm.s32 $0xFFFFFFFF;
	p2 =	slt.u32 s8, $0xFFFFF086  }
0x1c: {  	p1 =	slt.u32 s9, $0xF7A;
	s5 =	simm.s32 @!p2 $0x0  }
0x1d: {  	s5 =	simm.s32 @p1 $0x1;
	p0 =	seq.s32 s7, s2  }
0x1e: {  	s7 =	smul.u32 @!p0 $0xF7A, s2;
	p2 =	seq.s32 @!p0 s5, $0x0  }
0x1f: {  	s9 =	smul.u32 $0xF7A, s1;
	s8 =	simm.s32 @!p0 $0x1BF5;
	p2 =	por !p2, p0  }
0x20: {  	[sflag:s8] =	ssyncset.s32 @!p0 $0xFFFFF086;
	s6 =	sadd.s32 @!p0 s3, s7;
	s7 =	simm.s32 @!p0 $0x108  }
0x21: {  	s3 =	sadd.s32 s3, s9;
	s6 =	sadd.s32 @!p0 $0x88, s6;
	s7 =	simm.s32 @p2 $0x1082  }
0x22: {  	[simem:s7], [sflag:s8] =	dma.local @!p0 [hbm:s6], $0xF7A  }
0x23: {  	s9 =	sor.u32 $0xD0000000, s2;
	s6 =	simm.s32 $0x108;
	_ =	swait.ge @!p0 [sflag:s8], $0x0  }
0x24: {  	s3 =	sadd.s32 $0x88, s3;
	s6 =	simm.s32 @!p1 $0x1082;
	[sflag:s4] =	ssyncset.s32 $0xFFFFF086  }
0x25: {  	[simem:s6], [sflag:s4] =	dma.local [hbm:s3], $0xF7A  }
0x26: {  	[smem:$0x3F9F] =	sst s1;
	(tag) =	ssettag s2;
	_ =	strace s9  }
0x27: {  	s1 =	sld [smem:$0x3FAF]  }
0x28: {  	s2 =	sld [smem:$0x3FB0]  }
0x29: {  	s4 =	sld [smem:$0x3FB2]  }
0x2a: {  	p0 =	seq.s32 s5, $0x0;
	s5 =	sld [smem:$0x3FB3]  }
0x2b: {  	s6 =	sld [smem:$0x3FB4]  }
0x2c: {  	s7 =	sld [smem:$0x3FB5]  }
0x2d: {  	s3 =	simm.s32 $0x108;
	s8 =	sld [smem:$0x3FB6]  }
0x2e: {  	s3 =	simm.s32 @!p0 $0x1082;
	s9 =	sld [smem:$0x3FB7]  }
0x2f: {  	lr =	sadd.s32 s0, s3;
	s0 =	sld [smem:$0x3FAE]  }
0x30: {  	s3 =	sld [smem:$0x3FB1]  }
0x31: {  	[smem:$0x3FBA] =	sst s10  }
0x32: {  	s10 =	sld [smem:$0x3FB8];
	_ =	sdelay $0x3  }
0x33: {  	p0 =	seq.s32 s10, $0x1;
	s10 =	sld [smem:$0x3FBA];
	_ =	sdelay $0x3  }
0x34: {  	[smem:$0x3FBA] =	sst s10  }
0x35: {  	s10 =	sld [smem:$0x3FB9];
	_ =	sdelay $0x3  }
0x36: {  	p1 =	seq.s32 s10, $0x1;
	s10 =	sld [smem:$0x3FBA];
	_ =	sdelay $0x3  }
0x37: {  	[smem:$0x3FBA] =	sst s10  }
0x38: {  	s10 =	sld [smem:$0x3FBB]  }
0x39: {  	_ = 	snop;
	(pc) =	sbr.ind lr, $3  }
0x3a: {  	_ = 	snop  }
0x3b: {  	_ = 	snop  }
0x3c: {  	p2 =	seq.s32 s10, $0x1;
	s10 =	sld [smem:$0x3FBA]  }
0x3d: {  	_ =	shalt  }
0x3e: {  	_ =	shalt  }
0x3f: {  	_ =	shalt  }
0x40: {  	_ =	shalt  }
0x41: {  	_ =	shalt  }
0x42: {  	_ =	shalt  }
0x43: {  	_ =	shalt  }
0x44: {  	_ =	shalt  }
0x45: {  	_ =	shalt  }
0x46: {  	_ =	shalt  }
0x47: {  	_ =	shalt  }
0x48: {  	_ =	shalt  }
0x49: {  	_ =	shalt  }
0x4a: {  	_ =	shalt  }
0x4b: {  	_ =	shalt  }
0x4c: {  	_ =	shalt  }
0x4d: {  	_ =	shalt  }
0x4e: {  	_ =	shalt  }
0x4f: {  	_ =	shalt  }
0x50: {  	_ =	shalt  }
0x51: {  	_ =	shalt  }
0x52: {  	_ =	shalt  }
0x53: {  	_ =	shalt  }
0x54: {  	_ =	shalt  }
0x55: {  	_ =	shalt  }
0x56: {  	_ =	shalt  }
0x57: {  	_ =	shalt  }
0x58: {  	_ =	shalt  }
0x59: {  	_ =	shalt  }
0x5a: {  	_ =	shalt  }
0x5b: {  	_ =	shalt  }
0x5c: {  	_ =	shalt  }
0x5d: {  	_ =	shalt  }
0x5e: {  	_ =	shalt  }
0x5f: {  	_ =	shalt  }
0x60: {  	_ =	shalt  }
0x61: {  	_ =	shalt  }
0x62: {  	_ =	shalt  }
0x63: {  	_ =	shalt  }
0x64: {  	_ =	shalt  }
0x65: {  	_ =	shalt  }
0x66: {  	_ =	shalt  }
0x67: {  	_ =	shalt  }
0x68: {  	_ =	shalt  }
0x69: {  	_ =	shalt  }
0x6a: {  	_ =	shalt  }
0x6b: {  	_ =	shalt  }
0x6c: {  	_ =	shalt  }
0x6d: {  	_ =	shalt  }
0x6e: {  	_ =	shalt  }
0x6f: {  	_ =	shalt  }
0x70: {  	_ =	shalt  }
0x71: {  	_ =	shalt  }
0x72: {  	_ =	shalt  }
0x73: {  	_ =	shalt  }
0x74: {  	_ =	shalt  }
0x75: {  	_ =	shalt  }
0x76: {  	_ =	shalt  }
0x77: {  	_ =	shalt  }
0x78: {  	_ =	shalt  }
0x79: {  	_ =	shalt  }
0x7a: {  	_ =	shalt  }
0x7b: {  	_ =	shalt  }
0x7c: {  	_ =	shalt  }
0x7d: {  	_ =	shalt  }
0x7e: {  	_ =	shalt  }
0x7f: {  	_ =	shalt  }
0x80: {  	_ =	shalt  }
0x81: {  	_ =	shalt  }
0x82: {  	_ =	shalt  }
0x83: {  	_ =	shalt  }
0x84: {  	_ =	shalt  }
0x85: {  	_ =	shalt  }
0x86: {  	_ =	shalt  }
0x87: {  	_ =	shalt  }
.Lfunc_end0:
.L_simem_size_0:
called_computation_lowered:
.L_overlay_start_0:
0x88: {  	s2 =	sld [smem:$0x3FD9]  }
0x89: {  	s3 =	sld [smem:$0x3FFE];
	_ =	sdelay $0x1  }
0x8a: {  	s1 =	srdreg.scid  }
0x8b: {  	s0 =	sand.u32 $0x1, s1  }
0x8c: {  	s14 =	sshll.u32 s0, $0xA;
	s2 =	sadd.s32 s3, s2  }
0x8d: {  	s2 =	sadd.s32 s2, s14  }
0x8e: {  	[smem:$0x3FC6] =	sst s2  }
0x8f: {  	_ = 	snop  }
0x90: {  	s2 =	sld [smem:$0x3FD0];
	_ =	sdelay $0x2  }
0x91: {  	s15 =	simm.s32 $0xA;
	s4 =	simm.s32 $0x10  }
0x92: {  	[smem:s4], [sflag:s15] =	dma.local [hbm:s2], $0x1  }
0x93: {  	_ =	swait.eq [sflag:s15], $0x1  }
0x94: {  	[sflag:s15] =	ssyncset.done $0x0  }
0x95: {  	[sflag:s15] =	ssyncadd.s32 $0xFFFFFFFF  }
0x96: {  	s16 =	sld [smem:$0x10];
	(tm) =	ssettm $0x1  }
0x97: {  	s17 =	sld [smem:$0x3FFB];
	_ =	sdelay $0x3  }
0x98: {  	_ =	strace s17  }
0x99: {  	s3 =	sld [smem:$0x3FFC];
	_ =	sdelay $0x3  }
0x9a: {  	_ =	strace s3  }
0x9b: {  	s3 =	sld [smem:$0x3FFD];
	_ =	sdelay $0x3  }
0x9c: {  	_ =	strace s3  }
0x9d: {  	_ =	strace $0x8FFFFFFF  }
0x9e: {  	s18 =	sld [smem:$0x3FDB];
	_ =	sdelay $0x1  }
0x9f: {  	s19 =	simm.s32 $_scs_section_size  }
0xa0: {  	s5 =	simm.s32 $_size__tile_overlayer_lowered;
	s6 =	simm.s32 $_tile_overlayer_lowered  }
0xa1: {  	s22 =	simm.s32 $0x1BFF;
	s21 =	sshll.u32 s6, $0x1;
	s3 =	sadd.s32 s19, s18  }
0xa2: {  	s7 =	simm.s32 $0x0;
	s20 =	sshll.u32 s5, $0x1;
	s5 =	sadd.s32 s21, s3  }
0xa3: {  	[timem:s7], [sflag:s22] =	dma.local [hbm:s5], s20  }
0xa4: {  	_ =	swait.ge [sflag:s22], s20  }
0xa5: {  	s4 =	ssub.s32 $0x0, s20;
	[sflag:s22] =	ssyncset.done $0x0  }
0xa6: {  	[sflag:s22] =	ssyncadd.s32 s4;
	_ =	sdelay $0x1  }
0xa7: {  	s23 =	simm.s32 $0x1B8B  }
0xa8: {  	_ =	swait.ge [sflag:s23], $0x1  }
0xa9: {  	[sflag:s23] =	ssyncset.done $0x0  }
0xaa: {  	s25 =	simm.s32 $0x1B8E;
	s24 =	sld [smem:$0x3FFE];
	[sflag:s23] =	ssyncadd.s32 $0xFFFFFFFF  }
0xab: {  	s26 =	simm.s32 $execute0_lowered;
	[smem:$0x3FD2] =	sst s25  }
0xac: {  	s5 =	sshll.u32 s26, $0x1;
	_ =	strace $0x80000046;
	[dreg:$0x1] =	wrdreg $0xFFFFFFFF  }
0xad: {  	s28 =	simm.s32 $_size_execute0_lowered;
	s3 =	sadd.s32 s3, s5;
	[dreg:$0x0] =	wrdreg $0x0  }
0xae: {  	s5 =	sshll.u32 s28, $0x1;
	[dreg:$0x2] =	wrdreg s3  }
0xaf: {  	[dreg:$0x3] =	wrdreg s5  }
0xb0: {  	[dreg:$0x4] =	wrdreg $0xC0  }
0xb1: {  	_ =	task [dreg:s7], $0x5FFFF  }
0xb2: {  	[dreg:$0x1] =	wrdreg $0xFFFFFFFF  }
0xb3: {  	[dreg:$0x0] =	wrdreg $0x60  }
0xb4: {  	[dreg:$0x2] =	wrdreg s24  }
0xb5: {  	[dreg:$0x3] =	wrdreg s16  }
0xb6: {  	[dreg:$0x4] =	wrdreg $0x9  }
0xb7: {  	_ =	task.clear_ibuf [dreg:s7], $0x5FFFF;
	_ =	strace $0x90000046  }
0xb8: {  	s29 =	simm.s32 $0x9;
	_ =	strace $0x80000048  }
0xb9: {  	_ =	swait.ge [sflag:s29], $0x1  }
0xba: {  	[sflag:s29] =	ssyncadd.s32 $0xFFFFFFFF  }
0xbb: {  	_ =	strace $0x90000048  }
0xbc: {  	_ =	sfence  }
0xbd: {  	s30 =	sld [smem:$0x0];
	_ =	sdelay $0x2  }
0xbe: {  	s31 =	sshll.u32 s1, $0xD;
	s1 =	sshrl.u32 s1, $0x2  }
0xbf: {  	s3 =	sand.u32 $0x4000, s31;
	s1 =	sadd.s32 s1, s30  }
0xc0: {  	s0 =	sor.u32 s3, s0;
	s1 =	sshll.u32 s1, $0x11  }
0xc1: {  	s0 =	sor.u32 s1, s0  }
0xc2: {  	s0 =	sadd.s32 $0x8F2B, s0  }
0xc3: {  	[sflag:s0] =	ssyncadd.remote.s32 $0x1  }
0xc4: {  	_ =	sfence.sel $0xFFFF  }
0xc5: {  	[dreg:$0x0] =	wrdreg $0xFFFFFFFF;
	(pc) =	sbr.abs _section_cstart, $3  }
0xc6: {  	[dreg:$0x1] =	wrdreg $0xFFFFFFFF  }
0xc7: {  	_ =	task.clear_ibuf [dreg:s7], $0x2FFFF;
	_ =	strace $0x9FFFFFFF  }
0xc8: {  	(tm) =	ssettm $0x7FFFFFFF  }
0xc9: {  	_ =	shalt  }
tec
execute0_lowered:
.L_overlay_start_1:
0x0: {  	(tag) =	ssettag $0x1  }
0x1: {  	s1 =	srdreg.scid;
	s0 =	stileid.u32  }
0x2: {  	s1 =	sand.u32 $0x1, s1;
	s2 =	sshll.u32 s0, $0x1  }
0x3: {  	s11 =	sor.u32 s1, s2  }
0x4: {  	s3 =	smul.u32 $0x90, s11  }
0x5: {  	s4 =	rddreg [dreg:$0x0]  }
0x6: {  	s12 =	rddreg [dreg:$0x1];
	s2 =	simm.s32 $0x0;
	s3 =	sadd.s32 s3, s4  }
0x7: {  	[smem:$0x7FF] =	sst s2;
	s26 =	smul.u32 $0x2400, s11;
	s3 =	sadd.s32 $0x2600, s3  }
0x8: {  	_ =	strace $0x80000047;
	[dreg:$0x3] =	wrdreg s3  }
0x9: {  	s3 =	sadd.s32 s12, s26;
	s5 =	rddreg [dreg:$0x3]  }
0xa: {  	[dreg:$0x4] =	wrdreg s3;
	s3 =	simm.s32 $0x5  }
0xb: {  	[tilespmem:s2], [sflag:$0x5] =	stream.linear.gather [hbm4b:s5+s2], $0x480, $0x38;
	[tilespmem:$0xC480] =	vst v63  }
0xc: {  	_ =	swait.ge [sflag:s3], $0x480  }
0xd: {  	s6 =	simm.s32 $0x480;
	[sflag:s3] =	ssyncset.done $0x0  }
0xe: {  	s4 =	sadd.s32 $0x600, s4;
	s5 =	simm.s32 $0x80;
	[sflag:s3] =	ssyncadd.s32 $0xFFFFFB80  }
0xf: {  	[tilespmem:s6], [sflag:$0x1] =	stream.indirect.gather [hbm4b:s4+s5], $0x40, s2, s5, $0xb8;
	[tilespmem:$0xC480] =	vst v63  }
0x10: {  	s7 =	simm.s32 $0x2480  }
0x11: {  	[tilespmem:s7], [sflag:$0x1] =	stream.indirect.gather [hbm4b:s4+s5], $0x40, s5, s5, $0xb8;
	[tilespmem:$0xC480] =	vst v63  }
0x12: {  	s8 =	simm.s32 $0x100;
	s9 =	simm.s32 $0x4480;
	s10 =	simm.s32 $0x1  }
0x13: {  	[tilespmem:s9], [sflag:$0x1] =	stream.indirect.gather [hbm4b:s4+s5], $0x40, s8, s5, $0xb8;
	[tilespmem:$0xC480] =	vst v63  }
0x14: {  	_ =	swait.ge [sflag:s10], $0x2000  }
0x15: {  	[sflag:s10] =	ssyncset.done $0x0  }
0x16: {  	s11 =	smul.u32 $0x12000, s11;
	s13 =	rddreg [dreg:$0x4];
	[sflag:s10] =	ssyncadd.s32 $0xFFFFE000  }
0x17: {  	[hbm4b:s13+s2] =	stream.linear.scatter [tilespmem:s6], [sflag:$0x3], $0x2000, $0x38;
	[tilespmem:$0xC480] =	vst v63  }
0x18: {  	s11 =	sshrl.u32 s11, $0x3;
	_ =	swait.ge [sflag:s10], $0x2000  }
0x19: {  	s30 =	sadd.s32 s12, s11;
	[sflag:s10] =	ssyncset.done $0x0  }
0x1a: {  	s11 =	sadd.s32 $0x400, s30;
	[sflag:s10] =	ssyncadd.s32 $0xFFFFE000  }
0x1b: {  	[hbm4b:s11+s2] =	stream.linear.scatter [tilespmem:s7], [sflag:$0x3], $0x2000, $0x38;
	[tilespmem:$0xC480] =	vst v63  }
0x1c: {  	_ =	swait.ge [sflag:s10], $0x2000  }
0x1d: {  	[sflag:s10] =	ssyncset.done $0x0  }
0x1e: {  	s12 =	sadd.s32 $0x800, s30;
	[sflag:s10] =	ssyncadd.s32 $0xFFFFE000  }
0x1f: {  	[hbm4b:s12+s2] =	stream.linear.scatter [tilespmem:s9], [sflag:$0x3], $0x2000, $0x38;
	[tilespmem:$0xC480] =	vst v63  }
0x20: {  	s14 =	simm.s32 $0x6480;
	s13 =	simm.s32 $0x180  }
0x21: {  	[tilespmem:s14], [sflag:$0x2] =	stream.indirect.gather [hbm4b:s4+s5], $0x40, s13, s5, $0xb8;
	[tilespmem:$0xC480] =	vst v63  }
0x22: {  	s15 =	simm.s32 $0x200;
	s16 =	simm.s32 $0x8480  }
0x23: {  	[tilespmem:s16], [sflag:$0x2] =	stream.indirect.gather [hbm4b:s4+s5], $0x40, s15, s5, $0xb8;
	[tilespmem:$0xC480] =	vst v63  }
0x24: {  	s17 =	simm.s32 $0x280;
	s18 =	simm.s32 $0xA480;
	s19 =	simm.s32 $0x2  }
0x25: {  	[tilespmem:s18], [sflag:$0x2] =	stream.indirect.gather [hbm4b:s4+s5], $0x40, s17, s5, $0xb8;
	[tilespmem:$0xC480] =	vst v63  }
0x26: {  	_ =	swait.ge [sflag:s19], $0x2000  }
0x27: {  	[sflag:s19] =	ssyncset.done $0x0  }
0x28: {  	s20 =	sadd.s32 $0xC00, s30;
	[sflag:s19] =	ssyncadd.s32 $0xFFFFE000  }
0x29: {  	[hbm4b:s20+s2] =	stream.linear.scatter [tilespmem:s14], [sflag:$0x4], $0x2000, $0x38;
	[tilespmem:$0xC480] =	vst v63  }
0x2a: {  	_ =	swait.ge [sflag:s19], $0x2000  }
0x2b: {  	[sflag:s19] =	ssyncset.done $0x0  }
0x2c: {  	s21 =	sadd.s32 $0x1000, s30;
	[sflag:s19] =	ssyncadd.s32 $0xFFFFE000  }
0x2d: {  	[hbm4b:s21+s2] =	stream.linear.scatter [tilespmem:s16], [sflag:$0x4], $0x2000, $0x38;
	[tilespmem:$0xC480] =	vst v63  }
0x2e: {  	_ =	swait.ge [sflag:s19], $0x2000  }
0x2f: {  	[sflag:s19] =	ssyncset.done $0x0  }
0x30: {  	s22 =	simm.s32 $0x3;
	s23 =	sadd.s32 $0x1400, s30;
	[sflag:s19] =	ssyncadd.s32 $0xFFFFE000  }
0x31: {  	[hbm4b:s23+s2] =	stream.linear.scatter [tilespmem:s18], [sflag:$0x4], $0x2000, $0x38;
	[tilespmem:$0xC480] =	vst v63  }
0x32: {  	_ =	swait.ge [sflag:s22], $0x2000  }
0x33: {  	[sflag:s22] =	ssyncset.done $0x0  }
0x34: {  	s24 =	simm.s32 $0x300;
	[sflag:s22] =	ssyncadd.s32 $0xFFFFE000  }
0x35: {  	[tilespmem:s6], [sflag:$0x1] =	stream.indirect.gather [hbm4b:s4+s5], $0x40, s24, s5, $0xb8;
	[tilespmem:$0xC480] =	vst v63  }
0x36: {  	_ =	swait.ge [sflag:s22], $0x2000  }
0x37: {  	[sflag:s22] =	ssyncset.done $0x0  }
0x38: {  	s25 =	simm.s32 $0x380;
	[sflag:s22] =	ssyncadd.s32 $0xFFFFE000  }
0x39: {  	[tilespmem:s7], [sflag:$0x1] =	stream.indirect.gather [hbm4b:s4+s5], $0x40, s25, s5, $0xb8;
	[tilespmem:$0xC480] =	vst v63  }
0x3a: {  	_ =	swait.ge [sflag:s22], $0x2000  }
0x3b: {  	[sflag:s22] =	ssyncset.done $0x0  }
0x3c: {  	s26 =	simm.s32 $0x400;
	[sflag:s22] =	ssyncadd.s32 $0xFFFFE000  }
0x3d: {  	[tilespmem:s9], [sflag:$0x1] =	stream.indirect.gather [hbm4b:s4+s5], $0x40, s26, s5, $0xb8;
	[tilespmem:$0xC480] =	vst v63  }
0x3e: {  	_ =	swait.ge [sflag:s10], $0x2000  }
0x3f: {  	[sflag:s10] =	ssyncset.done $0x0  }
0x40: {  	s28 =	sadd.s32 $0x1800, s30;
	[sflag:s10] =	ssyncadd.s32 $0xFFFFE000  }
0x41: {  	[hbm4b:s28+s2] =	stream.linear.scatter [tilespmem:s6], [sflag:$0x3], $0x2000, $0x38;
	[tilespmem:$0xC480] =	vst v63  }
0x42: {  	_ =	swait.ge [sflag:s10], $0x2000  }
0x43: {  	[sflag:s10] =	ssyncset.done $0x0  }
0x44: {  	s29 =	sadd.s32 $0x1C00, s30;
	[sflag:s10] =	ssyncadd.s32 $0xFFFFE000  }
0x45: {  	[hbm4b:s29+s2] =	stream.linear.scatter [tilespmem:s7], [sflag:$0x3], $0x2000, $0x38;
	[tilespmem:$0xC480] =	vst v63  }
0x46: {  	_ =	swait.ge [sflag:s10], $0x2000  }
0x47: {  	[sflag:s10] =	ssyncset.done $0x0  }
0x48: {  	s31 =	simm.s32 $0x4;
	s30 =	sadd.s32 $0x2000, s30;
	[sflag:s10] =	ssyncadd.s32 $0xFFFFE000  }
0x49: {  	[hbm4b:s30+s2] =	stream.linear.scatter [tilespmem:s9], [sflag:$0x3], $0x2000, $0x38;
	[tilespmem:$0xC480] =	vst v63  }
0x4a: {  	_ =	swait.ge [sflag:s31], $0x2000  }
0x4b: {  	[sflag:s31] =	ssyncset.done $0x0  }
0x4c: {  	[sflag:s31] =	ssyncadd.s32 $0xFFFFE000  }
0x4d: {  	_ =	swait.ge [sflag:s31], $0x2000  }
0x4e: {  	[sflag:s31] =	ssyncset.done $0x0  }
0x4f: {  	[sflag:s31] =	ssyncadd.s32 $0xFFFFE000  }
0x50: {  	s1 =	ssub.s32 $0x2, s1;
	_ =	swait.ge [sflag:s31], $0x2000  }
0x51: {  	s0 =	sshrl.u32 s1, $0x1;
	[sflag:s31] =	ssyncset.done $0x0  }
0x52: {  	s0 =	ssub.s32 s1, s0;
	[sflag:s31] =	ssyncadd.s32 $0xFFFFE000  }
0x53: {  	s0 =	smax.u32 s0, $0x1;
	_ =	swait.ge [sflag:s22], $0x2000  }
0x54: {  	p0 =	sne.s32 s0, $0x1;
	[sflag:s22] =	ssyncset.done $0x0  }
.Ltmp0:
0x55: {  	[sflag:s22] =	ssyncadd.s32 $0xFFFFE000;
	(pc) =	sbr.rel @!p0 .LBB2_2-.Ltmp0, $4  }
0x56: {  	_ =	swait.ge [sflag:s22], $0x2000  }
0x57: {  	[sflag:s22] =	ssyncset.done $0x0  }
0x58: {  	[sflag:s22] =	ssyncadd.s32 $0xFFFFE000  }
0x59: {  	s1 =	sadd.s32 $0xFFFFFFFF, s0;
	_ =	swait.ge [sflag:s22], $0x2000  }
.LBB2_1:
0x5a: {  	[sflag:s22] =	ssyncset.done $0x0  }
0x5b: {  	s0 =	rddreg [dreg:$0x3];
	[sflag:s22] =	ssyncadd.s32 $0xFFFFE000  }
0x5c: {  	[tilespmem:s2], [sflag:$0x5] =	stream.linear.gather [hbm4b:s0+s2], $0x480, $0x38;
	[tilespmem:$0xC480] =	vst v63  }
0x5d: {  	_ =	swait.ge [sflag:s3], $0x480  }
0x5e: {  	[sflag:s3] =	ssyncset.done $0x0  }
0x5f: {  	[sflag:s3] =	ssyncadd.s32 $0xFFFFFB80  }
0x60: {  	[tilespmem:s6], [sflag:$0x1] =	stream.indirect.gather [hbm4b:s4+s5], $0x40, s2, s5, $0xb8;
	[tilespmem:$0xC480] =	vst v63  }
0x61: {  	_ = 	snop  }
0x62: {  	[tilespmem:s7], [sflag:$0x1] =	stream.indirect.gather [hbm4b:s4+s5], $0x40, s5, s5, $0xb8;
	[tilespmem:$0xC480] =	vst v63  }
0x63: {  	_ = 	snop  }
0x64: {  	[tilespmem:s9], [sflag:$0x1] =	stream.indirect.gather [hbm4b:s4+s5], $0x40, s8, s5, $0xb8;
	[tilespmem:$0xC480] =	vst v63  }
0x65: {  	_ =	swait.ge [sflag:s10], $0x2000  }
0x66: {  	[sflag:s10] =	ssyncset.done $0x0  }
0x67: {  	s0 =	rddreg [dreg:$0x4];
	[sflag:s10] =	ssyncadd.s32 $0xFFFFE000  }
0x68: {  	[hbm4b:s0+s2] =	stream.linear.scatter [tilespmem:s6], [sflag:$0x3], $0x2000, $0x38;
	[tilespmem:$0xC480] =	vst v63  }
0x69: {  	_ =	swait.ge [sflag:s10], $0x2000  }
0x6a: {  	[sflag:s10] =	ssyncset.done $0x0  }
0x6b: {  	[sflag:s10] =	ssyncadd.s32 $0xFFFFE000  }
0x6c: {  	[hbm4b:s11+s2] =	stream.linear.scatter [tilespmem:s7], [sflag:$0x3], $0x2000, $0x38;
	[tilespmem:$0xC480] =	vst v63  }
0x6d: {  	_ =	swait.ge [sflag:s10], $0x2000  }
0x6e: {  	[sflag:s10] =	ssyncset.done $0x0  }
0x6f: {  	[sflag:s10] =	ssyncadd.s32 $0xFFFFE000  }
0x70: {  	[hbm4b:s12+s2] =	stream.linear.scatter [tilespmem:s9], [sflag:$0x3], $0x2000, $0x38;
	[tilespmem:$0xC480] =	vst v63  }
0x71: {  	_ = 	snop  }
0x72: {  	[tilespmem:s14], [sflag:$0x2] =	stream.indirect.gather [hbm4b:s4+s5], $0x40, s13, s5, $0xb8;
	[tilespmem:$0xC480] =	vst v63  }
0x73: {  	_ = 	snop  }
0x74: {  	[tilespmem:s16], [sflag:$0x2] =	stream.indirect.gather [hbm4b:s4+s5], $0x40, s15, s5, $0xb8;
	[tilespmem:$0xC480] =	vst v63  }
0x75: {  	_ = 	snop  }
0x76: {  	[tilespmem:s18], [sflag:$0x2] =	stream.indirect.gather [hbm4b:s4+s5], $0x40, s17, s5, $0xb8;
	[tilespmem:$0xC480] =	vst v63  }
0x77: {  	_ =	swait.ge [sflag:s19], $0x2000  }
0x78: {  	[sflag:s19] =	ssyncset.done $0x0  }
0x79: {  	[sflag:s19] =	ssyncadd.s32 $0xFFFFE000  }
0x7a: {  	[hbm4b:s20+s2] =	stream.linear.scatter [tilespmem:s14], [sflag:$0x4], $0x2000, $0x38;
	[tilespmem:$0xC480] =	vst v63  }
0x7b: {  	_ =	swait.ge [sflag:s19], $0x2000  }
0x7c: {  	[sflag:s19] =	ssyncset.done $0x0  }
0x7d: {  	[sflag:s19] =	ssyncadd.s32 $0xFFFFE000  }
0x7e: {  	[hbm4b:s21+s2] =	stream.linear.scatter [tilespmem:s16], [sflag:$0x4], $0x2000, $0x38;
	[tilespmem:$0xC480] =	vst v63  }
0x7f: {  	_ =	swait.ge [sflag:s19], $0x2000  }
0x80: {  	[sflag:s19] =	ssyncset.done $0x0  }
0x81: {  	[sflag:s19] =	ssyncadd.s32 $0xFFFFE000  }
0x82: {  	[hbm4b:s23+s2] =	stream.linear.scatter [tilespmem:s18], [sflag:$0x4], $0x2000, $0x38;
	[tilespmem:$0xC480] =	vst v63  }
0x83: {  	_ =	swait.ge [sflag:s22], $0x2000  }
0x84: {  	[sflag:s22] =	ssyncset.done $0x0  }
0x85: {  	[sflag:s22] =	ssyncadd.s32 $0xFFFFE000  }
0x86: {  	[tilespmem:s6], [sflag:$0x1] =	stream.indirect.gather [hbm4b:s4+s5], $0x40, s24, s5, $0xb8;
	[tilespmem:$0xC480] =	vst v63  }
0x87: {  	_ =	swait.ge [sflag:s22], $0x2000  }
0x88: {  	[sflag:s22] =	ssyncset.done $0x0  }
0x89: {  	[sflag:s22] =	ssyncadd.s32 $0xFFFFE000  }
0x8a: {  	[tilespmem:s7], [sflag:$0x1] =	stream.indirect.gather [hbm4b:s4+s5], $0x40, s25, s5, $0xb8;
	[tilespmem:$0xC480] =	vst v63  }
0x8b: {  	_ =	swait.ge [sflag:s22], $0x2000  }
0x8c: {  	[sflag:s22] =	ssyncset.done $0x0  }
0x8d: {  	[sflag:s22] =	ssyncadd.s32 $0xFFFFE000  }
0x8e: {  	[tilespmem:s9], [sflag:$0x1] =	stream.indirect.gather [hbm4b:s4+s5], $0x40, s26, s5, $0xb8;
	[tilespmem:$0xC480] =	vst v63  }
0x8f: {  	_ =	swait.ge [sflag:s10], $0x2000  }
0x90: {  	[sflag:s10] =	ssyncset.done $0x0  }
0x91: {  	[sflag:s10] =	ssyncadd.s32 $0xFFFFE000  }
0x92: {  	[hbm4b:s28+s2] =	stream.linear.scatter [tilespmem:s6], [sflag:$0x3], $0x2000, $0x38;
	[tilespmem:$0xC480] =	vst v63  }
0x93: {  	_ =	swait.ge [sflag:s10], $0x2000  }
0x94: {  	[sflag:s10] =	ssyncset.done $0x0  }
0x95: {  	[sflag:s10] =	ssyncadd.s32 $0xFFFFE000  }
0x96: {  	[hbm4b:s29+s2] =	stream.linear.scatter [tilespmem:s7], [sflag:$0x3], $0x2000, $0x38;
	[tilespmem:$0xC480] =	vst v63  }
0x97: {  	_ =	swait.ge [sflag:s10], $0x2000  }
0x98: {  	[sflag:s10] =	ssyncset.done $0x0  }
0x99: {  	[sflag:s10] =	ssyncadd.s32 $0xFFFFE000  }
0x9a: {  	[hbm4b:s30+s2] =	stream.linear.scatter [tilespmem:s9], [sflag:$0x3], $0x2000, $0x38;
	[tilespmem:$0xC480] =	vst v63  }
0x9b: {  	_ =	swait.ge [sflag:s31], $0x2000  }
0x9c: {  	[sflag:s31] =	ssyncset.done $0x0  }
0x9d: {  	[sflag:s31] =	ssyncadd.s32 $0xFFFFE000  }
0x9e: {  	_ =	swait.ge [sflag:s31], $0x2000  }
0x9f: {  	[sflag:s31] =	ssyncset.done $0x0  }
0xa0: {  	[sflag:s31] =	ssyncadd.s32 $0xFFFFE000  }
0xa1: {  	_ =	swait.ge [sflag:s31], $0x2000  }
0xa2: {  	[sflag:s31] =	ssyncset.done $0x0  }
0xa3: {  	[sflag:s31] =	ssyncadd.s32 $0xFFFFE000  }
0xa4: {  	_ =	swait.ge [sflag:s22], $0x2000  }
0xa5: {  	p0 =	sne.s32 s1, $0x1;
	[sflag:s22] =	ssyncset.done $0x0  }
.Ltmp1:
0xa6: {  	[sflag:s22] =	ssyncadd.s32 $0xFFFFE000;
	(pc) =	sbr.rel @p0 .LBB2_1-.Ltmp1, $4  }
0xa7: {  	_ =	swait.ge [sflag:s22], $0x2000  }
0xa8: {  	[sflag:s22] =	ssyncset.done $0x0  }
0xa9: {  	[sflag:s22] =	ssyncadd.s32 $0xFFFFE000  }
0xaa: {  	s1 =	sadd.s32 $0xFFFFFFFF, s1;
	_ =	swait.ge [sflag:s22], $0x2000  }
.LBB2_2:
0xab: {  	[sflag:s22] =	ssyncset.done $0x0  }
0xac: {  	[sflag:s22] =	ssyncadd.s32 $0xFFFFE000  }
0xad: {  	_ =	sfence.sel $0x180000  }
0xae: {  	[bflag:$0x0] =	sbarrier.arrive $0xFFFF  }
0xaf: {  	_ =	strace $0x90000047  }
0xb0: {  	s0 =	stileid.u32;
	[bflag:$0x2] =	sbarrier.arrive $0xFFFF  }
0xb1: {  	p0 =	sne.s32 s0, $0x0;
	s0 =	rddreg [dreg:$0x2]  }
0xb2: {  	s0 =	sadd.s32 @!p0 $0x100000, s0  }
0xb3: {  	[sflag:s0] =	ssyncadd.tile.s32 @!p0 $0x1;
	_ =	shalt  }
.Lfunc_end2:
_tile_overlayer_lowered:
.L_overlay_start_2:
0xb4: {  	(tag) =	ssettag $0x2  }
0xb5: {  	s0 =	rddreg [dreg:$0x0];
	s2 =	stileid.u32  }
0xb6: {  	s1 =	rddreg [dreg:$0x1];
	p0 =	sne.s32 s2, $0x0  }
0xb7: {  	s3 =	rddreg [dreg:$0x2];
	[bflag:$0x3] =	sbarrier.arrive $0xFFFF;
	s2 =	simm.s32 @!p0 $0x1C05  }
0xb8: {  	[timem:s3], [sflag:s2] =	dma.local @!p0 [hbm:s0], s1  }
0xb9: {  	s0 =	simm.s32 @!p0 $0x5  }
0xba: {  	_ =	swait.ge @!p0 [sflag:s0], s1  }
0xbb: {  	s1 =	ssub.s32 @!p0 $0x0, s1;
	[sflag:s0] =	ssyncset.done @!p0 $0x0  }
0xbc: {  	[sflag:s0] =	ssyncadd.s32 @!p0 s1  }
0xbd: {  	[bflag:$0x3] =	sbarrier.arrive $0xFFFF  }
0xbe: {  	_ =	shalt  }

</sc_bundles>
